<compile_context>
chip_gen: v7x
topology: tpu7x:2x2x1
jax: 0.10.2.dev20260603
libtpu: 0.0.44.dev20260713+nightly
codegen_flags: <defaults>
</compile_context>

<pallas_src>
import functools

import jax
import jax.numpy as jnp
from jax import lax
from jax.experimental import pallas as pl
from jax.experimental.pallas import tpu as pltpu
from jax.experimental.pallas import tpu_sc as plsc

B, N, D = 8, 576, 64
N_TOK = B * N
K = 8192
DP = 2 * D

TT = 512
NT = N_TOK // TT
CB = 512
NCH = K // CB
CB = 512
NCH = K // CB

NC, NS, LANES = 2, 16, 16
NW = NC * NS
BPW = N_TOK // NW
CH = BPW // 2


ONE = 0x3F800000


def _argmin_body(z_ref, emb_ref, idx_ref, embp_ref, en_ref, d_ref, ps_ref):
    @pl.when(pl.program_id(0) == 0)
    def _():
        e0 = emb_ref[...]
        en_ref[...] = jnp.sum(e0 * e0, axis=1)[None, :]
        col = lax.broadcasted_iota(jnp.int32, (1, K), 1)
        ps_ref[...] = lax.bitcast_convert_type(jnp.int32(ONE) + col,
                                               jnp.float32)

    z = z_ref[...]
    zn = jnp.sum(z * z, axis=1, keepdims=True)
    z2x = z + z
    mins = []
    for k in range(NCH):
        ek = emb_ref[pl.ds(k * CB, CB), :]
        enk = en_ref[:, pl.ds(k * CB, CB)]
        dot2 = lax.dot_general(z2x, ek, (((1,), (1,)), ((), ())),
                               preferred_element_type=jnp.float32)
        dk = (zn + enk) - dot2
        d_ref[:, pl.ds(k * CB, CB)] = dk
        mins.append(jnp.min(dk, axis=1, keepdims=True))
    rmin = functools.reduce(jnp.minimum, mins)
    cand = jnp.where(d_ref[...] == rmin, ps_ref[...], jnp.float32(4.0))
    m = jnp.min(cand, axis=1)
    idx_ref[...] = lax.bitcast_convert_type(m, jnp.int32) - jnp.int32(ONE)

    @pl.when(pl.program_id(0) == NT - 1)
    def _():
        embp_ref[:, :D] = emb_ref[...]
        embp_ref[:, D:] = jnp.zeros((K, D), jnp.float32)


_tc_argmin = pl.pallas_call(
    _argmin_body,
    grid=(NT,),
    in_specs=[
        pl.BlockSpec((TT, D), lambda i: (i, 0)),
        pl.BlockSpec((K, D), lambda i: (0, 0)),
    ],
    out_specs=[
        pl.BlockSpec((TT,), lambda i: (i,)),
        pl.BlockSpec((K, DP), lambda i: (0, 0)),
    ],
    out_shape=[
        jax.ShapeDtypeStruct((N_TOK,), jnp.int32),
        jax.ShapeDtypeStruct((K, DP), jnp.float32),
    ],
    scratch_shapes=[
        pltpu.VMEM((1, K), jnp.float32),
        pltpu.VMEM((TT, K), jnp.float32),
        pltpu.VMEM((1, K), jnp.float32),
    ],
)


_sc_mesh = plsc.VectorSubcoreMesh(core_axis_name="c", subcore_axis_name="s")


@functools.partial(
    pl.kernel,
    mesh=_sc_mesh,
    out_type=(
        jax.ShapeDtypeStruct((N_TOK, D), jnp.float32),
        jax.ShapeDtypeStruct((NW * LANES,), jnp.float32),
    ),
    scratch_types=[
        pltpu.VMEM((CH,), jnp.int32),
        pltpu.VMEM((CH,), jnp.int32),
        pltpu.VMEM((CH, DP), jnp.float32),
        pltpu.VMEM((CH, DP), jnp.float32),
        pltpu.VMEM((BPW, D), jnp.float32),
        pltpu.VMEM((BPW, D), jnp.float32),
        pltpu.VMEM((LANES,), jnp.float32),
        pltpu.SemaphoreType.DMA,
    ],
)
def _sc_gather_loss(emb_hbm, idx_hbm, z_hbm, out_hbm, psum_hbm,
                    idx_a, idx_b, rows_a, rows_b, z_v, out_v, acc_v, sem):
    wid = lax.axis_index("s") * NC + lax.axis_index("c")
    base = wid * BPW
    pltpu.sync_copy(idx_hbm.at[pl.ds(base, CH)], idx_a)
    pltpu.sync_copy(idx_hbm.at[pl.ds(base + CH, CH)], idx_b)
    ca = pltpu.async_copy(emb_hbm.at[idx_a], rows_a, sem)
    cb = pltpu.async_copy(emb_hbm.at[idx_b], rows_b, sem)
    pltpu.sync_copy(z_hbm.at[pl.ds(base, BPW)], z_v)
    ca.wait()
    cb.wait()

    def make_body(rows, roff):
        def body(r, acc):
            for c in range(D // LANES):
                q = rows[r - roff, pl.ds(c * LANES, LANES)]
                t = z_v[r, pl.ds(c * LANES, LANES)]
                out_v[r, pl.ds(c * LANES, LANES)] = q
                dd = q - t
                acc = acc + dd * dd
            return acc
        return body

    acc = lax.fori_loop(0, CH, make_body(rows_a, 0),
                        jnp.zeros((LANES,), jnp.float32))
    acc = lax.fori_loop(CH, BPW, make_body(rows_b, CH), acc)
    acc_v[...] = acc

    pltpu.sync_copy(out_v, out_hbm.at[pl.ds(base, BPW)])
    pltpu.sync_copy(acc_v, psum_hbm.at[pl.ds(wid * LANES, LANES)])


def kernel(z, emb_weight):
    z = z.astype(jnp.float32)
    zf = z.reshape(-1, D)
    idx_flat, emb_p = _tc_argmin(zf, emb_weight)
    quant_flat, psums = _sc_gather_loss(emb_p, idx_flat, zf)
    quantized = quant_flat.reshape(z.shape)
    mse = jnp.sum(psums) / float(N_TOK * D)
    zero = jnp.array(0.0, dtype=jnp.float32)
    loss = 0.25 * mse + 1.0 * mse + 0.0 * zero
    q_indices = idx_flat.reshape(B, N)
    return (z, emb_weight, quantized, q_indices, loss, mse, mse,
            zero, zero, zero)

# --- scband reference (transcript-rebuilt; emitter-appended) ---
"""Pipeline reference for scband-simple-vector-quantizer-7876970021322 (READ-ONLY COPY).

The authoritative reference and input builder live on the scoring server;
editing this copy changes nothing except your own understanding.
"""

import jax, jax.numpy as jnp
import numpy as np


def setup_inputs(seed: int = 0) -> dict:
    key = jax.random.key(seed)
    k1, k2 = jax.random.split(key)
    z = jax.random.normal(k1, (8, 576, 64), dtype=jnp.float32)
    # kaiming_uniform_ on [K, dim]: fan_in = dim, bound = sqrt(6/fan_in)
    bound = float(np.sqrt(6.0 / 64.0))
    emb_weight = jax.random.uniform(k2, (8192, 64), minval=-bound, maxval=bound, dtype=jnp.float32)
    return {"z": z, "emb_weight": emb_weight}


def reference(z, emb_weight):
    # SimpleVectorQuantizer.forward with l2_normalized=False, stochastic=False,
    # entropy_loss_weight=0.0, beta=0.25, codebook_loss_weight=1.0
    z = z.astype(jnp.float32)
    emb = emb_weight  # get_emb() without l2 normalization
    b, n, dim = z.shape
    z_flattened = z.reshape(-1, dim)  # (b n) d
    # d = ||z||^2 + ||e||^2 - 2 z.e
    d = (jnp.sum(z_flattened ** 2, axis=1, keepdims=True)
         + jnp.sum(emb ** 2, axis=1)
         - 2.0 * jnp.einsum('bd,dn->bn', z_flattened, emb.T))
    q_indices = jnp.argmin(d, axis=1)
    quantized = jnp.take(emb, q_indices, axis=0).reshape(z.shape)
    loss_commit = jnp.mean((jax.lax.stop_gradient(quantized) - z) ** 2)
    loss_codebook = jnp.mean((quantized - jax.lax.stop_gradient(z)) ** 2)
    loss_entropy = jnp.array(0.0, dtype=z.dtype)
    sample_entropy = jnp.array(0.0, dtype=z.dtype)
    avg_entropy = jnp.array(0.0, dtype=z.dtype)
    loss = 0.25 * loss_commit + 1.0 * loss_codebook + 0.0 * loss_entropy
    # straight-through estimator
    quantized_ste = z + jax.lax.stop_gradient(quantized - z)
    q_indices_out = q_indices.reshape(b, n)  # same_index_shape=True
    # mirrors return_dict keys: unregularized_z, emb, regularized_z, bottleneck_rep,
    # loss_q, loss_commit, loss_codebook, loss_entropy, per_sample_entropy, codebook_entropy
    return (z, emb, quantized_ste, q_indices_out, loss, loss_commit, loss_codebook,
            loss_entropy, sample_entropy, avg_entropy)

if __name__ == "__main__":
    import jax
    _d = setup_inputs()
    print(jax.jit(kernel)(*tuple(_d.values())))

</pallas_src>

<mosaic_0001>
#map = affine_map<(d0, d1) -> (0, 0)>
#map1 = affine_map<(d0, d1) -> (0)>
module attributes {stable_mosaic.version = 14 : i64} {
  func.func @_sc_gather_loss(%arg0: i32, %arg1: i32, %arg2: memref<8192x128xf32, #tpu.memory_space<hbm>>, %arg3: memref<4608xi32, #tpu.memory_space<hbm>>, %arg4: memref<4608x64xf32, #tpu.memory_space<hbm>>, %arg5: memref<4608x64xf32, #tpu.memory_space<hbm>>, %arg6: memref<512xf32, #tpu.memory_space<hbm>>, %arg7: memref<72xi32, #tpu.memory_space<vmem>>, %arg8: memref<72xi32, #tpu.memory_space<vmem>>, %arg9: memref<72x128xf32, #tpu.memory_space<vmem>>, %arg10: memref<72x128xf32, #tpu.memory_space<vmem>>, %arg11: memref<144x64xf32, #tpu.memory_space<vmem>>, %arg12: memref<144x64xf32, #tpu.memory_space<vmem>>, %arg13: memref<16xf32, #tpu.memory_space<vmem>>, %arg14: memref<!tpu.dma_semaphore, #tpu.memory_space<semaphore_mem>>) attributes {dimension_semantics = [#tpu.dimension_semantics<core_parallel>, #tpu.dimension_semantics<subcore_parallel>], iteration_bounds = array<i64: 2, 16>, scalar_prefetch = 0 : i64, scratch_operands = 8 : i64, tpu.core_type = #tpu.core_type<sc_vector_subcore>, window_params = [{transform_indices = #map}, {transform_indices = #map1}, {transform_indices = #map}, {transform_indices = #map}, {transform_indices = #map1}]} {
    %mul3A = arith.constant 2 : i32
    %mul3A_0 = arith.muli %arg1, %mul3A : i32
    %add3A = arith.addi %mul3A_0, %arg0 : i32
    %mul3A_1 = arith.constant 144 : i32
    %mul3A_2 = arith.muli %add3A, %mul3A_1 : i32
    "tpu.region"() ({
      %run_scoped3A = tpu.sem_alloc : memref<!tpu.dma_semaphore, #tpu.memory_space<semaphore_mem>>
      %dma_start3A_32 = tpu.memref_slice %arg3[%mul3A_2] : memref<4608xi32, #tpu.memory_space<hbm>> -> memref<72xi32, #tpu.memory_space<hbm>>
      %dma_start3A_33 = tpu.memref_slice %arg3[%mul3A_2] : memref<4608xi32, #tpu.memory_space<hbm>> -> memref<72xi32, #tpu.memory_space<hbm>>
      tpu.enqueue_dma source(%dma_start3A_33 : memref<72xi32, #tpu.memory_space<hbm>>) target(%arg7 : memref<72xi32, #tpu.memory_space<vmem>>) target_semaphore(%run_scoped3A : memref<!tpu.dma_semaphore, #tpu.memory_space<semaphore_mem>>)
      %dma_wait3A_34 = tpu.memref_slice %arg3[%mul3A_2] : memref<4608xi32, #tpu.memory_space<hbm>> -> memref<72xi32, #tpu.memory_space<hbm>>
      %dma_wait3A_35 = tpu.memref_slice %arg3[%mul3A_2] : memref<4608xi32, #tpu.memory_space<hbm>> -> memref<72xi32, #tpu.memory_space<hbm>>
      tpu.wait_dma2 semaphore(%run_scoped3A : memref<!tpu.dma_semaphore, #tpu.memory_space<semaphore_mem>>) src(%dma_wait3A_35 : memref<72xi32, #tpu.memory_space<hbm>>) dst(%arg7 : memref<72xi32, #tpu.memory_space<vmem>>)
      tpu.yield
    }) : () -> ()
    %add3A_3 = arith.constant 72 : i32
    %add3A_4 = arith.addi %mul3A_2, %add3A_3 : i32
    "tpu.region"() ({
      %run_scoped3A = tpu.sem_alloc : memref<!tpu.dma_semaphore, #tpu.memory_space<semaphore_mem>>
      %dma_start3A_32 = tpu.memref_slice %arg3[%add3A_4] : memref<4608xi32, #tpu.memory_space<hbm>> -> memref<72xi32, #tpu.memory_space<hbm>>
      %dma_start3A_33 = tpu.memref_slice %arg3[%add3A_4] : memref<4608xi32, #tpu.memory_space<hbm>> -> memref<72xi32, #tpu.memory_space<hbm>>
      tpu.enqueue_dma source(%dma_start3A_33 : memref<72xi32, #tpu.memory_space<hbm>>) target(%arg8 : memref<72xi32, #tpu.memory_space<vmem>>) target_semaphore(%run_scoped3A : memref<!tpu.dma_semaphore, #tpu.memory_space<semaphore_mem>>)
      %dma_wait3A_34 = tpu.memref_slice %arg3[%add3A_4] : memref<4608xi32, #tpu.memory_space<hbm>> -> memref<72xi32, #tpu.memory_space<hbm>>
      %dma_wait3A_35 = tpu.memref_slice %arg3[%add3A_4] : memref<4608xi32, #tpu.memory_space<hbm>> -> memref<72xi32, #tpu.memory_space<hbm>>
      tpu.wait_dma2 semaphore(%run_scoped3A : memref<!tpu.dma_semaphore, #tpu.memory_space<semaphore_mem>>) src(%dma_wait3A_35 : memref<72xi32, #tpu.memory_space<hbm>>) dst(%arg8 : memref<72xi32, #tpu.memory_space<vmem>>)
      tpu.yield
    }) : () -> ()
    %dma_start3A = arith.constant 0 : i32
    %dma_start3A_5 = arith.constant 0 : i32
    %dma_start3A_6 = tpu.memref_slice %arg2[%dma_start3A, %dma_start3A_5] : memref<8192x128xf32, #tpu.memory_space<hbm>> -> memref<8192x128xf32, #tpu.memory_space<hbm>>
    tpu.enqueue_indirect_dma source(%dma_start3A_6 : memref<8192x128xf32, #tpu.memory_space<hbm>>) target(%arg9 : memref<72x128xf32, #tpu.memory_space<vmem>>) offsets(%arg7 : memref<72xi32, #tpu.memory_space<vmem>>) semaphore(%arg14 : memref<!tpu.dma_semaphore, #tpu.memory_space<semaphore_mem>>)
    %dma_start3A_7 = arith.constant 0 : i32
    %dma_start3A_8 = arith.constant 0 : i32
    %dma_start3A_9 = tpu.memref_slice %arg2[%dma_start3A_7, %dma_start3A_8] : memref<8192x128xf32, #tpu.memory_space<hbm>> -> memref<8192x128xf32, #tpu.memory_space<hbm>>
    tpu.enqueue_indirect_dma source(%dma_start3A_9 : memref<8192x128xf32, #tpu.memory_space<hbm>>) target(%arg10 : memref<72x128xf32, #tpu.memory_space<vmem>>) offsets(%arg8 : memref<72xi32, #tpu.memory_space<vmem>>) semaphore(%arg14 : memref<!tpu.dma_semaphore, #tpu.memory_space<semaphore_mem>>)
    "tpu.region"() ({
      %run_scoped3A = tpu.sem_alloc : memref<!tpu.dma_semaphore, #tpu.memory_space<semaphore_mem>>
      %dma_start3A_32 = arith.constant 0 : i32
      %dma_start3A_33 = tpu.memref_slice %arg4[%mul3A_2, %dma_start3A_32] : memref<4608x64xf32, #tpu.memory_space<hbm>> -> memref<144x64xf32, #tpu.memory_space<hbm>>
      %dma_start3A_34 = arith.constant 0 : i32
      %dma_start3A_35 = tpu.memref_slice %arg4[%mul3A_2, %dma_start3A_34] : memref<4608x64xf32, #tpu.memory_space<hbm>> -> memref<144x64xf32, #tpu.memory_space<hbm>>
      tpu.enqueue_dma source(%dma_start3A_35 : memref<144x64xf32, #tpu.memory_space<hbm>>) target(%arg11 : memref<144x64xf32, #tpu.memory_space<vmem>>) target_semaphore(%run_scoped3A : memref<!tpu.dma_semaphore, #tpu.memory_space<semaphore_mem>>)
      %dma_wait3A_36 = arith.constant 0 : i32
      %dma_wait3A_37 = tpu.memref_slice %arg4[%mul3A_2, %dma_wait3A_36] : memref<4608x64xf32, #tpu.memory_space<hbm>> -> memref<144x64xf32, #tpu.memory_space<hbm>>
      %dma_wait3A_38 = arith.constant 0 : i32
      %dma_wait3A_39 = tpu.memref_slice %arg4[%mul3A_2, %dma_wait3A_38] : memref<4608x64xf32, #tpu.memory_space<hbm>> -> memref<144x64xf32, #tpu.memory_space<hbm>>
      tpu.wait_dma2 semaphore(%run_scoped3A : memref<!tpu.dma_semaphore, #tpu.memory_space<semaphore_mem>>) src(%dma_wait3A_39 : memref<144x64xf32, #tpu.memory_space<hbm>>) dst(%arg11 : memref<144x64xf32, #tpu.memory_space<vmem>>)
      tpu.yield
    }) : () -> ()
    %dma_wait3A = arith.constant 0 : i32
    %dma_wait3A_10 = arith.constant 0 : i32
    %dma_wait3A_11 = tpu.memref_slice %arg2[%dma_wait3A, %dma_wait3A_10] : memref<8192x128xf32, #tpu.memory_space<hbm>> -> memref<8192x128xf32, #tpu.memory_space<hbm>>
    tpu.wait_indirect_dma semaphore(%arg14 : memref<!tpu.dma_semaphore, #tpu.memory_space<semaphore_mem>>) src(%dma_wait3A_11 : memref<8192x128xf32, #tpu.memory_space<hbm>>) dst(%arg9 : memref<72x128xf32, #tpu.memory_space<vmem>>)
    %dma_wait3A_12 = arith.constant 0 : i32
    %dma_wait3A_13 = arith.constant 0 : i32
    %dma_wait3A_14 = tpu.memref_slice %arg2[%dma_wait3A_12, %dma_wait3A_13] : memref<8192x128xf32, #tpu.memory_space<hbm>> -> memref<8192x128xf32, #tpu.memory_space<hbm>>
    tpu.wait_indirect_dma semaphore(%arg14 : memref<!tpu.dma_semaphore, #tpu.memory_space<semaphore_mem>>) src(%dma_wait3A_14 : memref<8192x128xf32, #tpu.memory_space<hbm>>) dst(%arg10 : memref<72x128xf32, #tpu.memory_space<vmem>>)
    %broadcast_in_dim3A = arith.constant 0.000000e+00 : f32
    %broadcast_in_dim3A_15 = vector.broadcast %broadcast_in_dim3A : f32 to vector<16xf32>
    %scan3A = arith.constant 0 : i32
    %scan3A_16 = arith.constant 72 : i32
    %scan3A_17 = arith.addi %scan3A, %scan3A_16 : i32
    %scan3A_18 = arith.constant 1 : i32
    %scan3A_19 = scf.for %scan3A_32 = %scan3A to %scan3A_17 step %scan3A_18 iter_args(%scan3A_33 = %broadcast_in_dim3A_15) -> (vector<16xf32>)  : i32 {
      %sub3A = arith.constant 0 : i32
      %sub3A_34 = arith.subi %scan3A_32, %sub3A : i32
      %get3A = arith.index_cast %sub3A_34 : i32 to index
      %get3A_35 = arith.constant 0 : index
      %get3A_36 = tpu.vector_load %arg9[%get3A, %get3A_35] {strides = array<i32>} : memref<72x128xf32, #tpu.memory_space<vmem>>, vector<1x16xf32>,
      %get3A_37 = vector.shape_cast %get3A_36 : vector<1x16xf32> to vector<16xf32>
      %get3A_38 = arith.index_cast %scan3A_32 : i32 to index
      %get3A_39 = arith.constant 0 : index
      %get3A_40 = tpu.vector_load %arg11[%get3A_38, %get3A_39] {strides = array<i32>} : memref<144x64xf32, #tpu.memory_space<vmem>>, vector<1x16xf32>,
      %get3A_41 = vector.shape_cast %get3A_40 : vector<1x16xf32> to vector<16xf32>
      %swap3A_42 = arith.index_cast %scan3A_32 : i32 to index
      %swap3A_43 = arith.constant 0 : index
      %swap3A_44 = tpu.vector_load %arg12[%swap3A_42, %swap3A_43] {strides = array<i32>} : memref<144x64xf32, #tpu.memory_space<vmem>>, vector<1x16xf32>,
      %swap3A_45 = vector.shape_cast %swap3A_44 : vector<1x16xf32> to vector<16xf32>
      %swap3A_46 = vector.shape_cast %get3A_37 : vector<16xf32> to vector<1x16xf32>
      tpu.vector_store %arg12[%swap3A_42, %swap3A_43], %swap3A_46 {strides = array<i32>} : memref<144x64xf32, #tpu.memory_space<vmem>>, vector<1x16xf32>,
      %sub3A_47 = arith.subf %get3A_37, %get3A_41 : vector<16xf32>
      %mul3A_48 = arith.mulf %sub3A_47, %sub3A_47 : vector<16xf32>
      %add3A_49 = arith.addf %scan3A_33, %mul3A_48 : vector<16xf32>
      %sub3A_50 = arith.constant 0 : i32
      %sub3A_51 = arith.subi %scan3A_32, %sub3A_50 : i32
      %get3A_52 = arith.index_cast %sub3A_51 : i32 to index
      %get3A_53 = arith.constant 16 : index
      %get3A_54 = tpu.vector_load %arg9[%get3A_52, %get3A_53] {strides = array<i32>} : memref<72x128xf32, #tpu.memory_space<vmem>>, vector<1x16xf32>,
      %get3A_55 = vector.shape_cast %get3A_54 : vector<1x16xf32> to vector<16xf32>
      %get3A_56 = arith.index_cast %scan3A_32 : i32 to index
      %get3A_57 = arith.constant 16 : index
      %get3A_58 = tpu.vector_load %arg11[%get3A_56, %get3A_57] {strides = array<i32>} : memref<144x64xf32, #tpu.memory_space<vmem>>, vector<1x16xf32>,
      %get3A_59 = vector.shape_cast %get3A_58 : vector<1x16xf32> to vector<16xf32>
      %swap3A_60 = arith.index_cast %scan3A_32 : i32 to index
      %swap3A_61 = arith.constant 16 : index
      %swap3A_62 = tpu.vector_load %arg12[%swap3A_60, %swap3A_61] {strides = array<i32>} : memref<144x64xf32, #tpu.memory_space<vmem>>, vector<1x16xf32>,
      %swap3A_63 = vector.shape_cast %swap3A_62 : vector<1x16xf32> to vector<16xf32>
      %swap3A_64 = vector.shape_cast %get3A_55 : vector<16xf32> to vector<1x16xf32>
      tpu.vector_store %arg12[%swap3A_60, %swap3A_61], %swap3A_64 {strides = array<i32>} : memref<144x64xf32, #tpu.memory_space<vmem>>, vector<1x16xf32>,
      %sub3A_65 = arith.subf %get3A_55, %get3A_59 : vector<16xf32>
      %mul3A_66 = arith.mulf %sub3A_65, %sub3A_65 : vector<16xf32>
      %add3A_67 = arith.addf %add3A_49, %mul3A_66 : vector<16xf32>
      %sub3A_68 = arith.constant 0 : i32
      %sub3A_69 = arith.subi %scan3A_32, %sub3A_68 : i32
      %get3A_70 = arith.index_cast %sub3A_69 : i32 to index
      %get3A_71 = arith.constant 32 : index
      %get3A_72 = tpu.vector_load %arg9[%get3A_70, %get3A_71] {strides = array<i32>} : memref<72x128xf32, #tpu.memory_space<vmem>>, vector<1x16xf32>,
      %get3A_73 = vector.shape_cast %get3A_72 : vector<1x16xf32> to vector<16xf32>
      %get3A_74 = arith.index_cast %scan3A_32 : i32 to index
      %get3A_75 = arith.constant 32 : index
      %get3A_76 = tpu.vector_load %arg11[%get3A_74, %get3A_75] {strides = array<i32>} : memref<144x64xf32, #tpu.memory_space<vmem>>, vector<1x16xf32>,
      %get3A_77 = vector.shape_cast %get3A_76 : vector<1x16xf32> to vector<16xf32>
      %swap3A_78 = arith.index_cast %scan3A_32 : i32 to index
      %swap3A_79 = arith.constant 32 : index
      %swap3A_80 = tpu.vector_load %arg12[%swap3A_78, %swap3A_79] {strides = array<i32>} : memref<144x64xf32, #tpu.memory_space<vmem>>, vector<1x16xf32>,
      %swap3A_81 = vector.shape_cast %swap3A_80 : vector<1x16xf32> to vector<16xf32>
      %swap3A_82 = vector.shape_cast %get3A_73 : vector<16xf32> to vector<1x16xf32>
      tpu.vector_store %arg12[%swap3A_78, %swap3A_79], %swap3A_82 {strides = array<i32>} : memref<144x64xf32, #tpu.memory_space<vmem>>, vector<1x16xf32>,
      %sub3A_83 = arith.subf %get3A_73, %get3A_77 : vector<16xf32>
      %mul3A_84 = arith.mulf %sub3A_83, %sub3A_83 : vector<16xf32>
      %add3A_85 = arith.addf %add3A_67, %mul3A_84 : vector<16xf32>
      %sub3A_86 = arith.constant 0 : i32
      %sub3A_87 = arith.subi %scan3A_32, %sub3A_86 : i32
      %get3A_88 = arith.index_cast %sub3A_87 : i32 to index
      %get3A_89 = arith.constant 48 : index
      %get3A_90 = tpu.vector_load %arg9[%get3A_88, %get3A_89] {strides = array<i32>} : memref<72x128xf32, #tpu.memory_space<vmem>>, vector<1x16xf32>,
      %get3A_91 = vector.shape_cast %get3A_90 : vector<1x16xf32> to vector<16xf32>
      %get3A_92 = arith.index_cast %scan3A_32 : i32 to index
      %get3A_93 = arith.constant 48 : index
      %get3A_94 = tpu.vector_load %arg11[%get3A_92, %get3A_93] {strides = array<i32>} : memref<144x64xf32, #tpu.memory_space<vmem>>, vector<1x16xf32>,
      %get3A_95 = vector.shape_cast %get3A_94 : vector<1x16xf32> to vector<16xf32>
      %swap3A_96 = arith.index_cast %scan3A_32 : i32 to index
      %swap3A_97 = arith.constant 48 : index
      %swap3A_98 = tpu.vector_load %arg12[%swap3A_96, %swap3A_97] {strides = array<i32>} : memref<144x64xf32, #tpu.memory_space<vmem>>, vector<1x16xf32>,
      %swap3A_99 = vector.shape_cast %swap3A_98 : vector<1x16xf32> to vector<16xf32>
      %swap3A_100 = vector.shape_cast %get3A_91 : vector<16xf32> to vector<1x16xf32>
      tpu.vector_store %arg12[%swap3A_96, %swap3A_97], %swap3A_100 {strides = array<i32>} : memref<144x64xf32, #tpu.memory_space<vmem>>, vector<1x16xf32>,
      %sub3A_101 = arith.subf %get3A_91, %get3A_95 : vector<16xf32>
      %mul3A_102 = arith.mulf %sub3A_101, %sub3A_101 : vector<16xf32>
      %add3A_103 = arith.addf %add3A_85, %mul3A_102 : vector<16xf32>
      scf.yield %add3A_103 : vector<16xf32>
    }
    %scan3A_20 = arith.constant 72 : i32
    %scan3A_21 = arith.constant 72 : i32
    %scan3A_22 = arith.constant 72 : i32
    %scan3A_23 = arith.addi %scan3A_21, %scan3A_22 : i32
    %scan3A_24 = arith.constant 1 : i32
    %scan3A_25 = scf.for %scan3A_32 = %scan3A_21 to %scan3A_23 step %scan3A_24 iter_args(%scan3A_33 = %scan3A_19) -> (vector<16xf32>)  : i32 {
      %sub3A = arith.constant 72 : i32
      %sub3A_34 = arith.subi %scan3A_32, %sub3A : i32
      %get3A = arith.index_cast %sub3A_34 : i32 to index
      %get3A_35 = arith.constant 0 : index
      %get3A_36 = tpu.vector_load %arg10[%get3A, %get3A_35] {strides = array<i32>} : memref<72x128xf32, #tpu.memory_space<vmem>>, vector<1x16xf32>,
      %get3A_37 = vector.shape_cast %get3A_36 : vector<1x16xf32> to vector<16xf32>
      %get3A_38 = arith.index_cast %scan3A_32 : i32 to index
      %get3A_39 = arith.constant 0 : index
      %get3A_40 = tpu.vector_load %arg11[%get3A_38, %get3A_39] {strides = array<i32>} : memref<144x64xf32, #tpu.memory_space<vmem>>, vector<1x16xf32>,
      %get3A_41 = vector.shape_cast %get3A_40 : vector<1x16xf32> to vector<16xf32>
      %swap3A_42 = arith.index_cast %scan3A_32 : i32 to index
      %swap3A_43 = arith.constant 0 : index
      %swap3A_44 = tpu.vector_load %arg12[%swap3A_42, %swap3A_43] {strides = array<i32>} : memref<144x64xf32, #tpu.memory_space<vmem>>, vector<1x16xf32>,
      %swap3A_45 = vector.shape_cast %swap3A_44 : vector<1x16xf32> to vector<16xf32>
      %swap3A_46 = vector.shape_cast %get3A_37 : vector<16xf32> to vector<1x16xf32>
      tpu.vector_store %arg12[%swap3A_42, %swap3A_43], %swap3A_46 {strides = array<i32>} : memref<144x64xf32, #tpu.memory_space<vmem>>, vector<1x16xf32>,
      %sub3A_47 = arith.subf %get3A_37, %get3A_41 : vector<16xf32>
      %mul3A_48 = arith.mulf %sub3A_47, %sub3A_47 : vector<16xf32>
      %add3A_49 = arith.addf %scan3A_33, %mul3A_48 : vector<16xf32>
      %sub3A_50 = arith.constant 72 : i32
      %sub3A_51 = arith.subi %scan3A_32, %sub3A_50 : i32
      %get3A_52 = arith.index_cast %sub3A_51 : i32 to index
      %get3A_53 = arith.constant 16 : index
      %get3A_54 = tpu.vector_load %arg10[%get3A_52, %get3A_53] {strides = array<i32>} : memref<72x128xf32, #tpu.memory_space<vmem>>, vector<1x16xf32>,
      %get3A_55 = vector.shape_cast %get3A_54 : vector<1x16xf32> to vector<16xf32>
      %get3A_56 = arith.index_cast %scan3A_32 : i32 to index
      %get3A_57 = arith.constant 16 : index
      %get3A_58 = tpu.vector_load %arg11[%get3A_56, %get3A_57] {strides = array<i32>} : memref<144x64xf32, #tpu.memory_space<vmem>>, vector<1x16xf32>,
      %get3A_59 = vector.shape_cast %get3A_58 : vector<1x16xf32> to vector<16xf32>
      %swap3A_60 = arith.index_cast %scan3A_32 : i32 to index
      %swap3A_61 = arith.constant 16 : index
      %swap3A_62 = tpu.vector_load %arg12[%swap3A_60, %swap3A_61] {strides = array<i32>} : memref<144x64xf32, #tpu.memory_space<vmem>>, vector<1x16xf32>,
      %swap3A_63 = vector.shape_cast %swap3A_62 : vector<1x16xf32> to vector<16xf32>
      %swap3A_64 = vector.shape_cast %get3A_55 : vector<16xf32> to vector<1x16xf32>
      tpu.vector_store %arg12[%swap3A_60, %swap3A_61], %swap3A_64 {strides = array<i32>} : memref<144x64xf32, #tpu.memory_space<vmem>>, vector<1x16xf32>,
      %sub3A_65 = arith.subf %get3A_55, %get3A_59 : vector<16xf32>
      %mul3A_66 = arith.mulf %sub3A_65, %sub3A_65 : vector<16xf32>
      %add3A_67 = arith.addf %add3A_49, %mul3A_66 : vector<16xf32>
      %sub3A_68 = arith.constant 72 : i32
      %sub3A_69 = arith.subi %scan3A_32, %sub3A_68 : i32
      %get3A_70 = arith.index_cast %sub3A_69 : i32 to index
      %get3A_71 = arith.constant 32 : index
      %get3A_72 = tpu.vector_load %arg10[%get3A_70, %get3A_71] {strides = array<i32>} : memref<72x128xf32, #tpu.memory_space<vmem>>, vector<1x16xf32>,
      %get3A_73 = vector.shape_cast %get3A_72 : vector<1x16xf32> to vector<16xf32>
      %get3A_74 = arith.index_cast %scan3A_32 : i32 to index
      %get3A_75 = arith.constant 32 : index
      %get3A_76 = tpu.vector_load %arg11[%get3A_74, %get3A_75] {strides = array<i32>} : memref<144x64xf32, #tpu.memory_space<vmem>>, vector<1x16xf32>,
      %get3A_77 = vector.shape_cast %get3A_76 : vector<1x16xf32> to vector<16xf32>
      %swap3A_78 = arith.index_cast %scan3A_32 : i32 to index
      %swap3A_79 = arith.constant 32 : index
      %swap3A_80 = tpu.vector_load %arg12[%swap3A_78, %swap3A_79] {strides = array<i32>} : memref<144x64xf32, #tpu.memory_space<vmem>>, vector<1x16xf32>,
      %swap3A_81 = vector.shape_cast %swap3A_80 : vector<1x16xf32> to vector<16xf32>
      %swap3A_82 = vector.shape_cast %get3A_73 : vector<16xf32> to vector<1x16xf32>
      tpu.vector_store %arg12[%swap3A_78, %swap3A_79], %swap3A_82 {strides = array<i32>} : memref<144x64xf32, #tpu.memory_space<vmem>>, vector<1x16xf32>,
      %sub3A_83 = arith.subf %get3A_73, %get3A_77 : vector<16xf32>
      %mul3A_84 = arith.mulf %sub3A_83, %sub3A_83 : vector<16xf32>
      %add3A_85 = arith.addf %add3A_67, %mul3A_84 : vector<16xf32>
      %sub3A_86 = arith.constant 72 : i32
      %sub3A_87 = arith.subi %scan3A_32, %sub3A_86 : i32
      %get3A_88 = arith.index_cast %sub3A_87 : i32 to index
      %get3A_89 = arith.constant 48 : index
      %get3A_90 = tpu.vector_load %arg10[%get3A_88, %get3A_89] {strides = array<i32>} : memref<72x128xf32, #tpu.memory_space<vmem>>, vector<1x16xf32>,
      %get3A_91 = vector.shape_cast %get3A_90 : vector<1x16xf32> to vector<16xf32>
      %get3A_92 = arith.index_cast %scan3A_32 : i32 to index
      %get3A_93 = arith.constant 48 : index
      %get3A_94 = tpu.vector_load %arg11[%get3A_92, %get3A_93] {strides = array<i32>} : memref<144x64xf32, #tpu.memory_space<vmem>>, vector<1x16xf32>,
      %get3A_95 = vector.shape_cast %get3A_94 : vector<1x16xf32> to vector<16xf32>
      %swap3A_96 = arith.index_cast %scan3A_32 : i32 to index
      %swap3A_97 = arith.constant 48 : index
      %swap3A_98 = tpu.vector_load %arg12[%swap3A_96, %swap3A_97] {strides = array<i32>} : memref<144x64xf32, #tpu.memory_space<vmem>>, vector<1x16xf32>,
      %swap3A_99 = vector.shape_cast %swap3A_98 : vector<1x16xf32> to vector<16xf32>
      %swap3A_100 = vector.shape_cast %get3A_91 : vector<16xf32> to vector<1x16xf32>
      tpu.vector_store %arg12[%swap3A_96, %swap3A_97], %swap3A_100 {strides = array<i32>} : memref<144x64xf32, #tpu.memory_space<vmem>>, vector<1x16xf32>,
      %sub3A_101 = arith.subf %get3A_91, %get3A_95 : vector<16xf32>
      %mul3A_102 = arith.mulf %sub3A_101, %sub3A_101 : vector<16xf32>
      %add3A_103 = arith.addf %add3A_85, %mul3A_102 : vector<16xf32>
      scf.yield %add3A_103 : vector<16xf32>
    }
    %scan3A_26 = arith.constant 72 : i32
    %swap3A = arith.constant 0 : index
    %swap3A_27 = tpu.vector_load %arg13[%swap3A] {strides = array<i32>} : memref<16xf32, #tpu.memory_space<vmem>>, vector<16xf32>,
    %swap3A_28 = vector.shape_cast %swap3A_27 : vector<16xf32> to vector<16xf32>
    %swap3A_29 = vector.shape_cast %scan3A_25 : vector<16xf32> to vector<16xf32>
    tpu.vector_store %arg13[%swap3A], %swap3A_29 {strides = array<i32>} : memref<16xf32, #tpu.memory_space<vmem>>, vector<16xf32>,
    "tpu.region"() ({
      %run_scoped3A = tpu.sem_alloc : memref<!tpu.dma_semaphore, #tpu.memory_space<semaphore_mem>>
      %dma_start3A_32 = arith.constant 0 : i32
      %dma_start3A_33 = tpu.memref_slice %arg5[%mul3A_2, %dma_start3A_32] : memref<4608x64xf32, #tpu.memory_space<hbm>> -> memref<144x64xf32, #tpu.memory_space<hbm>>
      %dma_start3A_34 = arith.constant 0 : i32
      %dma_start3A_35 = tpu.memref_slice %arg5[%mul3A_2, %dma_start3A_34] : memref<4608x64xf32, #tpu.memory_space<hbm>> -> memref<144x64xf32, #tpu.memory_space<hbm>>
      tpu.enqueue_dma source(%arg12 : memref<144x64xf32, #tpu.memory_space<vmem>>) target(%dma_start3A_35 : memref<144x64xf32, #tpu.memory_space<hbm>>) target_semaphore(%run_scoped3A : memref<!tpu.dma_semaphore, #tpu.memory_space<semaphore_mem>>)
      %dma_wait3A_36 = arith.constant 0 : i32
      %dma_wait3A_37 = tpu.memref_slice %arg5[%mul3A_2, %dma_wait3A_36] : memref<4608x64xf32, #tpu.memory_space<hbm>> -> memref<144x64xf32, #tpu.memory_space<hbm>>
      %dma_wait3A_38 = arith.constant 0 : i32
      %dma_wait3A_39 = tpu.memref_slice %arg5[%mul3A_2, %dma_wait3A_38] : memref<4608x64xf32, #tpu.memory_space<hbm>> -> memref<144x64xf32, #tpu.memory_space<hbm>>
      tpu.wait_dma2 semaphore(%run_scoped3A : memref<!tpu.dma_semaphore, #tpu.memory_space<semaphore_mem>>) src(%arg12 : memref<144x64xf32, #tpu.memory_space<vmem>>) dst(%dma_wait3A_39 : memref<144x64xf32, #tpu.memory_space<hbm>>)
      tpu.yield
    }) : () -> ()
    %mul3A_30 = arith.constant 16 : i32
    %mul3A_31 = arith.muli %add3A, %mul3A_30 : i32
    "tpu.region"() ({
      %run_scoped3A = tpu.sem_alloc : memref<!tpu.dma_semaphore, #tpu.memory_space<semaphore_mem>>
      %dma_start3A_32 = tpu.memref_slice %arg6[%mul3A_31] : memref<512xf32, #tpu.memory_space<hbm>> -> memref<16xf32, #tpu.memory_space<hbm>>
      %dma_start3A_33 = tpu.memref_slice %arg6[%mul3A_31] : memref<512xf32, #tpu.memory_space<hbm>> -> memref<16xf32, #tpu.memory_space<hbm>>
      tpu.enqueue_dma source(%arg13 : memref<16xf32, #tpu.memory_space<vmem>>) target(%dma_start3A_33 : memref<16xf32, #tpu.memory_space<hbm>>) target_semaphore(%run_scoped3A : memref<!tpu.dma_semaphore, #tpu.memory_space<semaphore_mem>>)
      %dma_wait3A_34 = tpu.memref_slice %arg6[%mul3A_31] : memref<512xf32, #tpu.memory_space<hbm>> -> memref<16xf32, #tpu.memory_space<hbm>>
      %dma_wait3A_35 = tpu.memref_slice %arg6[%mul3A_31] : memref<512xf32, #tpu.memory_space<hbm>> -> memref<16xf32, #tpu.memory_space<hbm>>
      tpu.wait_dma2 semaphore(%run_scoped3A : memref<!tpu.dma_semaphore, #tpu.memory_space<semaphore_mem>>) src(%arg13 : memref<16xf32, #tpu.memory_space<vmem>>) dst(%dma_wait3A_35 : memref<16xf32, #tpu.memory_space<hbm>>)
      tpu.yield
    }) : () -> ()
    return
  }
}

module attributes {stable_mosaic.version = 14 : i64} {
  func.func @_argmin_body(%arg0: i32, %arg1: memref<512x64xf32, #tpu.memory_space<vmem>>, %arg2: memref<8192x64xf32, #tpu.memory_space<vmem>>, %arg3: memref<512xi32, #tpu.memory_space<vmem>>, %arg4: memref<8192x128xf32, #tpu.memory_space<vmem>>, %arg5: memref<1x8192xf32, #tpu.memory_space<vmem>>, %arg6: memref<512x8192xf32, #tpu.memory_space<vmem>>, %arg7: memref<1x8192xf32, #tpu.memory_space<vmem>>) attributes {dimension_semantics = [#tpu.dimension_semantics<arbitrary>], iteration_bounds = array<i64: 9>, scalar_prefetch = 0 : i64, scratch_operands = 3 : i64, tpu.core_type = #tpu.core_type<tc>, window_params = [{transform_indices = @transform_0, window_bounds = array<i64: 512, 64>}, {pipeline_mode = #tpu.pipeline_mode<synchronous>, transform_indices = @transform_1, window_bounds = array<i64: 8192, 64>}, {transform_indices = @transform_2, window_bounds = array<i64: 512>}, {pipeline_mode = #tpu.pipeline_mode<synchronous>, transform_indices = @transform_3, window_bounds = array<i64: 8192, 128>}]} {
    %eq3A = arith.constant 0 : i32
    %eq3A_0 = arith.cmpi eq, %arg0, %eq3A : i32
    %convert_element_type3A = arith.extui %eq3A_0 : i1 to i32
    %cond3A = arith.constant 0 : i32
    %cond3A_1 = arith.cmpi ne, %convert_element_type3A, %cond3A : i32
    scf.if %cond3A_1 {
      %get3A_326 = arith.constant 0 : index
      %get3A_327 = arith.constant 0 : index
      %get3A_328 = vector.load %arg2[%get3A_326, %get3A_327] : memref<8192x64xf32, #tpu.memory_space<vmem>>, vector<8192x64xf32>
      %mul3A_329 = arith.mulf %get3A_328, %get3A_328 : vector<8192x64xf32>
      %reduce_sum3A_330 = arith.constant dense<0.000000e+00> : vector<8192xf32>
      %reduce_sum3A_331 = vector.multi_reduction <add>, %mul3A_329, %reduce_sum3A_330 [1] : vector<8192x64xf32> to vector<8192xf32>
      %broadcast_in_dim3A_332 = vector.shape_cast %reduce_sum3A_331 : vector<8192xf32> to vector<1x8192xf32>
      %swap3A_333 = arith.constant 0 : index
      %swap3A_334 = arith.constant 0 : index
      %swap3A_335 = vector.load %arg5[%swap3A_333, %swap3A_334] : memref<1x8192xf32, #tpu.memory_space<vmem>>, vector<1x8192xf32>
      tpu.vector_store %arg5[%swap3A_333, %swap3A_334], %broadcast_in_dim3A_332 {strides = array<i32>} : memref<1x8192xf32, #tpu.memory_space<vmem>>, vector<1x8192xf32>,
      %iota3A = tpu.iota {dimensions = array<i32: 1>} : vector<1x8192xi32>
      %add3A_336 = arith.constant 1065353216 : i32
      %add3A_337 = vector.broadcast %add3A_336 : i32 to vector<1x8192xi32>
      %add3A_338 = arith.addi %add3A_337, %iota3A : vector<1x8192xi32>
      %bitcast_convert_type3A_339 = tpu.bitcast %add3A_338 : vector<1x8192xi32> -> vector<1x8192xf32>
      %swap3A_340 = arith.constant 0 : index
      %swap3A_341 = arith.constant 0 : index
      %swap3A_342 = vector.load %arg7[%swap3A_340, %swap3A_341] : memref<1x8192xf32, #tpu.memory_space<vmem>>, vector<1x8192xf32>
      tpu.vector_store %arg7[%swap3A_340, %swap3A_341], %bitcast_convert_type3A_339 {strides = array<i32>} : memref<1x8192xf32, #tpu.memory_space<vmem>>, vector<1x8192xf32>,
    } else {
    }
    %get3A = arith.constant 0 : index
    %get3A_2 = arith.constant 0 : index
    %get3A_3 = vector.load %arg1[%get3A, %get3A_2] : memref<512x64xf32, #tpu.memory_space<vmem>>, vector<512x64xf32>
    %mul3A = arith.mulf %get3A_3, %get3A_3 : vector<512x64xf32>
    %reduce_sum3A = arith.constant dense<0.000000e+00> : vector<512xf32>
    %reduce_sum3A_4 = vector.multi_reduction <add>, %mul3A, %reduce_sum3A [1] : vector<512x64xf32> to vector<512xf32>
    %broadcast_in_dim3A = vector.shape_cast %reduce_sum3A_4 : vector<512xf32> to vector<512x1xf32>
    %add3A = arith.addf %get3A_3, %get3A_3 : vector<512x64xf32>
    %get3A_5 = arith.constant 0 : index
    %get3A_6 = arith.constant 0 : index
    %get3A_7 = vector.load %arg2[%get3A_5, %get3A_6] : memref<8192x64xf32, #tpu.memory_space<vmem>>, vector<512x64xf32>
    %get3A_8 = arith.constant 0 : index
    %get3A_9 = arith.constant 0 : index
    %get3A_10 = vector.load %arg5[%get3A_8, %get3A_9] : memref<1x8192xf32, #tpu.memory_space<vmem>>, vector<1x512xf32>
    %dot_general3A = arith.constant dense<0.000000e+00> : vector<512x512xf32>
    %dot_general3A_11 = tpu.matmul %add3A, %get3A_7, %dot_general3A {dimension_numbers = #tpu.dot_dimension_numbers<[1], [1], [0], [0], [0, 0, 1, 0], [], []>, transpose_lhs_hint = false} : vector<512x64xf32>, vector<512x64xf32>, vector<512x512xf32> -> vector<512x512xf32>
    %add3A_12 = vector.broadcast %broadcast_in_dim3A : vector<512x1xf32> to vector<512x512xf32>
    %add3A_13 = vector.broadcast %get3A_10 : vector<1x512xf32> to vector<512x512xf32>
    %add3A_14 = arith.addf %add3A_12, %add3A_13 : vector<512x512xf32>
    %sub3A = arith.subf %add3A_14, %dot_general3A_11 : vector<512x512xf32>
    %swap3A = arith.constant 0 : index
    %swap3A_15 = arith.constant 0 : index
    %swap3A_16 = vector.load %arg6[%swap3A, %swap3A_15] : memref<512x8192xf32, #tpu.memory_space<vmem>>, vector<512x512xf32>
    tpu.vector_store %arg6[%swap3A, %swap3A_15], %sub3A {strides = array<i32>} : memref<512x8192xf32, #tpu.memory_space<vmem>>, vector<512x512xf32>,
    %reduce_min3A = arith.constant dense<0x7F800000> : vector<512xf32>
    %reduce_min3A_17 = vector.multi_reduction <minimumf>, %sub3A, %reduce_min3A [1] : vector<512x512xf32> to vector<512xf32>
    %broadcast_in_dim3A_18 = vector.shape_cast %reduce_min3A_17 : vector<512xf32> to vector<512x1xf32>
    %get3A_19 = arith.constant 512 : index
    %get3A_20 = arith.constant 0 : index
    %get3A_21 = vector.load %arg2[%get3A_19, %get3A_20] : memref<8192x64xf32, #tpu.memory_space<vmem>>, vector<512x64xf32>
    %get3A_22 = arith.constant 0 : index
    %get3A_23 = arith.constant 512 : index
    %get3A_24 = vector.load %arg5[%get3A_22, %get3A_23] : memref<1x8192xf32, #tpu.memory_space<vmem>>, vector<1x512xf32>
    %dot_general3A_25 = arith.constant dense<0.000000e+00> : vector<512x512xf32>
    %dot_general3A_26 = tpu.matmul %add3A, %get3A_21, %dot_general3A_25 {dimension_numbers = #tpu.dot_dimension_numbers<[1], [1], [0], [0], [0, 0, 1, 0], [], []>, transpose_lhs_hint = false} : vector<512x64xf32>, vector<512x64xf32>, vector<512x512xf32> -> vector<512x512xf32>
    %add3A_27 = vector.broadcast %broadcast_in_dim3A : vector<512x1xf32> to vector<512x512xf32>
    %add3A_28 = vector.broadcast %get3A_24 : vector<1x512xf32> to vector<512x512xf32>
    %add3A_29 = arith.addf %add3A_27, %add3A_28 : vector<512x512xf32>
    %sub3A_30 = arith.subf %add3A_29, %dot_general3A_26 : vector<512x512xf32>
    %swap3A_31 = arith.constant 0 : index
    %swap3A_32 = arith.constant 512 : index
    %swap3A_33 = vector.load %arg6[%swap3A_31, %swap3A_32] : memref<512x8192xf32, #tpu.memory_space<vmem>>, vector<512x512xf32>
    tpu.vector_store %arg6[%swap3A_31, %swap3A_32], %sub3A_30 {strides = array<i32>} : memref<512x8192xf32, #tpu.memory_space<vmem>>, vector<512x512xf32>,
    %reduce_min3A_34 = arith.constant dense<0x7F800000> : vector<512xf32>
    %reduce_min3A_35 = vector.multi_reduction <minimumf>, %sub3A_30, %reduce_min3A_34 [1] : vector<512x512xf32> to vector<512xf32>
    %broadcast_in_dim3A_36 = vector.shape_cast %reduce_min3A_35 : vector<512xf32> to vector<512x1xf32>
    %get3A_37 = arith.constant 1024 : index
    %get3A_38 = arith.constant 0 : index
    %get3A_39 = vector.load %arg2[%get3A_37, %get3A_38] : memref<8192x64xf32, #tpu.memory_space<vmem>>, vector<512x64xf32>
    %get3A_40 = arith.constant 0 : index
    %get3A_41 = arith.constant 1024 : index
    %get3A_42 = vector.load %arg5[%get3A_40, %get3A_41] : memref<1x8192xf32, #tpu.memory_space<vmem>>, vector<1x512xf32>
    %dot_general3A_43 = arith.constant dense<0.000000e+00> : vector<512x512xf32>
    %dot_general3A_44 = tpu.matmul %add3A, %get3A_39, %dot_general3A_43 {dimension_numbers = #tpu.dot_dimension_numbers<[1], [1], [0], [0], [0, 0, 1, 0], [], []>, transpose_lhs_hint = false} : vector<512x64xf32>, vector<512x64xf32>, vector<512x512xf32> -> vector<512x512xf32>
    %add3A_45 = vector.broadcast %broadcast_in_dim3A : vector<512x1xf32> to vector<512x512xf32>
    %add3A_46 = vector.broadcast %get3A_42 : vector<1x512xf32> to vector<512x512xf32>
    %add3A_47 = arith.addf %add3A_45, %add3A_46 : vector<512x512xf32>
    %sub3A_48 = arith.subf %add3A_47, %dot_general3A_44 : vector<512x512xf32>
    %swap3A_49 = arith.constant 0 : index
    %swap3A_50 = arith.constant 1024 : index
    %swap3A_51 = vector.load %arg6[%swap3A_49, %swap3A_50] : memref<512x8192xf32, #tpu.memory_space<vmem>>, vector<512x512xf32>
    tpu.vector_store %arg6[%swap3A_49, %swap3A_50], %sub3A_48 {strides = array<i32>} : memref<512x8192xf32, #tpu.memory_space<vmem>>, vector<512x512xf32>,
    %reduce_min3A_52 = arith.constant dense<0x7F800000> : vector<512xf32>
    %reduce_min3A_53 = vector.multi_reduction <minimumf>, %sub3A_48, %reduce_min3A_52 [1] : vector<512x512xf32> to vector<512xf32>
    %broadcast_in_dim3A_54 = vector.shape_cast %reduce_min3A_53 : vector<512xf32> to vector<512x1xf32>
    %get3A_55 = arith.constant 1536 : index
    %get3A_56 = arith.constant 0 : index
    %get3A_57 = vector.load %arg2[%get3A_55, %get3A_56] : memref<8192x64xf32, #tpu.memory_space<vmem>>, vector<512x64xf32>
    %get3A_58 = arith.constant 0 : index
    %get3A_59 = arith.constant 1536 : index
    %get3A_60 = vector.load %arg5[%get3A_58, %get3A_59] : memref<1x8192xf32, #tpu.memory_space<vmem>>, vector<1x512xf32>
    %dot_general3A_61 = arith.constant dense<0.000000e+00> : vector<512x512xf32>
    %dot_general3A_62 = tpu.matmul %add3A, %get3A_57, %dot_general3A_61 {dimension_numbers = #tpu.dot_dimension_numbers<[1], [1], [0], [0], [0, 0, 1, 0], [], []>, transpose_lhs_hint = false} : vector<512x64xf32>, vector<512x64xf32>, vector<512x512xf32> -> vector<512x512xf32>
    %add3A_63 = vector.broadcast %broadcast_in_dim3A : vector<512x1xf32> to vector<512x512xf32>
    %add3A_64 = vector.broadcast %get3A_60 : vector<1x512xf32> to vector<512x512xf32>
    %add3A_65 = arith.addf %add3A_63, %add3A_64 : vector<512x512xf32>
    %sub3A_66 = arith.subf %add3A_65, %dot_general3A_62 : vector<512x512xf32>
    %swap3A_67 = arith.constant 0 : index
    %swap3A_68 = arith.constant 1536 : index
    %swap3A_69 = vector.load %arg6[%swap3A_67, %swap3A_68] : memref<512x8192xf32, #tpu.memory_space<vmem>>, vector<512x512xf32>
    tpu.vector_store %arg6[%swap3A_67, %swap3A_68], %sub3A_66 {strides = array<i32>} : memref<512x8192xf32, #tpu.memory_space<vmem>>, vector<512x512xf32>,
    %reduce_min3A_70 = arith.constant dense<0x7F800000> : vector<512xf32>
    %reduce_min3A_71 = vector.multi_reduction <minimumf>, %sub3A_66, %reduce_min3A_70 [1] : vector<512x512xf32> to vector<512xf32>
    %broadcast_in_dim3A_72 = vector.shape_cast %reduce_min3A_71 : vector<512xf32> to vector<512x1xf32>
    %get3A_73 = arith.constant 2048 : index
    %get3A_74 = arith.constant 0 : index
    %get3A_75 = vector.load %arg2[%get3A_73, %get3A_74] : memref<8192x64xf32, #tpu.memory_space<vmem>>, vector<512x64xf32>
    %get3A_76 = arith.constant 0 : index
    %get3A_77 = arith.constant 2048 : index
    %get3A_78 = vector.load %arg5[%get3A_76, %get3A_77] : memref<1x8192xf32, #tpu.memory_space<vmem>>, vector<1x512xf32>
    %dot_general3A_79 = arith.constant dense<0.000000e+00> : vector<512x512xf32>
    %dot_general3A_80 = tpu.matmul %add3A, %get3A_75, %dot_general3A_79 {dimension_numbers = #tpu.dot_dimension_numbers<[1], [1], [0], [0], [0, 0, 1, 0], [], []>, transpose_lhs_hint = false} : vector<512x64xf32>, vector<512x64xf32>, vector<512x512xf32> -> vector<512x512xf32>
    %add3A_81 = vector.broadcast %broadcast_in_dim3A : vector<512x1xf32> to vector<512x512xf32>
    %add3A_82 = vector.broadcast %get3A_78 : vector<1x512xf32> to vector<512x512xf32>
    %add3A_83 = arith.addf %add3A_81, %add3A_82 : vector<512x512xf32>
    %sub3A_84 = arith.subf %add3A_83, %dot_general3A_80 : vector<512x512xf32>
    %swap3A_85 = arith.constant 0 : index
    %swap3A_86 = arith.constant 2048 : index
    %swap3A_87 = vector.load %arg6[%swap3A_85, %swap3A_86] : memref<512x8192xf32, #tpu.memory_space<vmem>>, vector<512x512xf32>
    tpu.vector_store %arg6[%swap3A_85, %swap3A_86], %sub3A_84 {strides = array<i32>} : memref<512x8192xf32, #tpu.memory_space<vmem>>, vector<512x512xf32>,
    %reduce_min3A_88 = arith.constant dense<0x7F800000> : vector<512xf32>
    %reduce_min3A_89 = vector.multi_reduction <minimumf>, %sub3A_84, %reduce_min3A_88 [1] : vector<512x512xf32> to vector<512xf32>
    %broadcast_in_dim3A_90 = vector.shape_cast %reduce_min3A_89 : vector<512xf32> to vector<512x1xf32>
    %get3A_91 = arith.constant 2560 : index
    %get3A_92 = arith.constant 0 : index
    %get3A_93 = vector.load %arg2[%get3A_91, %get3A_92] : memref<8192x64xf32, #tpu.memory_space<vmem>>, vector<512x64xf32>
    %get3A_94 = arith.constant 0 : index
    %get3A_95 = arith.constant 2560 : index
    %get3A_96 = vector.load %arg5[%get3A_94, %get3A_95] : memref<1x8192xf32, #tpu.memory_space<vmem>>, vector<1x512xf32>
    %dot_general3A_97 = arith.constant dense<0.000000e+00> : vector<512x512xf32>
    %dot_general3A_98 = tpu.matmul %add3A, %get3A_93, %dot_general3A_97 {dimension_numbers = #tpu.dot_dimension_numbers<[1], [1], [0], [0], [0, 0, 1, 0], [], []>, transpose_lhs_hint = false} : vector<512x64xf32>, vector<512x64xf32>, vector<512x512xf32> -> vector<512x512xf32>
    %add3A_99 = vector.broadcast %broadcast_in_dim3A : vector<512x1xf32> to vector<512x512xf32>
    %add3A_100 = vector.broadcast %get3A_96 : vector<1x512xf32> to vector<512x512xf32>
    %add3A_101 = arith.addf %add3A_99, %add3A_100 : vector<512x512xf32>
    %sub3A_102 = arith.subf %add3A_101, %dot_general3A_98 : vector<512x512xf32>
    %swap3A_103 = arith.constant 0 : index
    %swap3A_104 = arith.constant 2560 : index
    %swap3A_105 = vector.load %arg6[%swap3A_103, %swap3A_104] : memref<512x8192xf32, #tpu.memory_space<vmem>>, vector<512x512xf32>
    tpu.vector_store %arg6[%swap3A_103, %swap3A_104], %sub3A_102 {strides = array<i32>} : memref<512x8192xf32, #tpu.memory_space<vmem>>, vector<512x512xf32>,
    %reduce_min3A_106 = arith.constant dense<0x7F800000> : vector<512xf32>
    %reduce_min3A_107 = vector.multi_reduction <minimumf>, %sub3A_102, %reduce_min3A_106 [1] : vector<512x512xf32> to vector<512xf32>
    %broadcast_in_dim3A_108 = vector.shape_cast %reduce_min3A_107 : vector<512xf32> to vector<512x1xf32>
    %get3A_109 = arith.constant 3072 : index
    %get3A_110 = arith.constant 0 : index
    %get3A_111 = vector.load %arg2[%get3A_109, %get3A_110] : memref<8192x64xf32, #tpu.memory_space<vmem>>, vector<512x64xf32>
    %get3A_112 = arith.constant 0 : index
    %get3A_113 = arith.constant 3072 : index
    %get3A_114 = vector.load %arg5[%get3A_112, %get3A_113] : memref<1x8192xf32, #tpu.memory_space<vmem>>, vector<1x512xf32>
    %dot_general3A_115 = arith.constant dense<0.000000e+00> : vector<512x512xf32>
    %dot_general3A_116 = tpu.matmul %add3A, %get3A_111, %dot_general3A_115 {dimension_numbers = #tpu.dot_dimension_numbers<[1], [1], [0], [0], [0, 0, 1, 0], [], []>, transpose_lhs_hint = false} : vector<512x64xf32>, vector<512x64xf32>, vector<512x512xf32> -> vector<512x512xf32>
    %add3A_117 = vector.broadcast %broadcast_in_dim3A : vector<512x1xf32> to vector<512x512xf32>
    %add3A_118 = vector.broadcast %get3A_114 : vector<1x512xf32> to vector<512x512xf32>
    %add3A_119 = arith.addf %add3A_117, %add3A_118 : vector<512x512xf32>
    %sub3A_120 = arith.subf %add3A_119, %dot_general3A_116 : vector<512x512xf32>
    %swap3A_121 = arith.constant 0 : index
    %swap3A_122 = arith.constant 3072 : index
    %swap3A_123 = vector.load %arg6[%swap3A_121, %swap3A_122] : memref<512x8192xf32, #tpu.memory_space<vmem>>, vector<512x512xf32>
    tpu.vector_store %arg6[%swap3A_121, %swap3A_122], %sub3A_120 {strides = array<i32>} : memref<512x8192xf32, #tpu.memory_space<vmem>>, vector<512x512xf32>,
    %reduce_min3A_124 = arith.constant dense<0x7F800000> : vector<512xf32>
    %reduce_min3A_125 = vector.multi_reduction <minimumf>, %sub3A_120, %reduce_min3A_124 [1] : vector<512x512xf32> to vector<512xf32>
    %broadcast_in_dim3A_126 = vector.shape_cast %reduce_min3A_125 : vector<512xf32> to vector<512x1xf32>
    %get3A_127 = arith.constant 3584 : index
    %get3A_128 = arith.constant 0 : index
    %get3A_129 = vector.load %arg2[%get3A_127, %get3A_128] : memref<8192x64xf32, #tpu.memory_space<vmem>>, vector<512x64xf32>
    %get3A_130 = arith.constant 0 : index
    %get3A_131 = arith.constant 3584 : index
    %get3A_132 = vector.load %arg5[%get3A_130, %get3A_131] : memref<1x8192xf32, #tpu.memory_space<vmem>>, vector<1x512xf32>
    %dot_general3A_133 = arith.constant dense<0.000000e+00> : vector<512x512xf32>
    %dot_general3A_134 = tpu.matmul %add3A, %get3A_129, %dot_general3A_133 {dimension_numbers = #tpu.dot_dimension_numbers<[1], [1], [0], [0], [0, 0, 1, 0], [], []>, transpose_lhs_hint = false} : vector<512x64xf32>, vector<512x64xf32>, vector<512x512xf32> -> vector<512x512xf32>
    %add3A_135 = vector.broadcast %broadcast_in_dim3A : vector<512x1xf32> to vector<512x512xf32>
    %add3A_136 = vector.broadcast %get3A_132 : vector<1x512xf32> to vector<512x512xf32>
    %add3A_137 = arith.addf %add3A_135, %add3A_136 : vector<512x512xf32>
    %sub3A_138 = arith.subf %add3A_137, %dot_general3A_134 : vector<512x512xf32>
    %swap3A_139 = arith.constant 0 : index
    %swap3A_140 = arith.constant 3584 : index
    %swap3A_141 = vector.load %arg6[%swap3A_139, %swap3A_140] : memref<512x8192xf32, #tpu.memory_space<vmem>>, vector<512x512xf32>
    tpu.vector_store %arg6[%swap3A_139, %swap3A_140], %sub3A_138 {strides = array<i32>} : memref<512x8192xf32, #tpu.memory_space<vmem>>, vector<512x512xf32>,
    %reduce_min3A_142 = arith.constant dense<0x7F800000> : vector<512xf32>
    %reduce_min3A_143 = vector.multi_reduction <minimumf>, %sub3A_138, %reduce_min3A_142 [1] : vector<512x512xf32> to vector<512xf32>
    %broadcast_in_dim3A_144 = vector.shape_cast %reduce_min3A_143 : vector<512xf32> to vector<512x1xf32>
    %get3A_145 = arith.constant 4096 : index
    %get3A_146 = arith.constant 0 : index
    %get3A_147 = vector.load %arg2[%get3A_145, %get3A_146] : memref<8192x64xf32, #tpu.memory_space<vmem>>, vector<512x64xf32>
    %get3A_148 = arith.constant 0 : index
    %get3A_149 = arith.constant 4096 : index
    %get3A_150 = vector.load %arg5[%get3A_148, %get3A_149] : memref<1x8192xf32, #tpu.memory_space<vmem>>, vector<1x512xf32>
    %dot_general3A_151 = arith.constant dense<0.000000e+00> : vector<512x512xf32>
    %dot_general3A_152 = tpu.matmul %add3A, %get3A_147, %dot_general3A_151 {dimension_numbers = #tpu.dot_dimension_numbers<[1], [1], [0], [0], [0, 0, 1, 0], [], []>, transpose_lhs_hint = false} : vector<512x64xf32>, vector<512x64xf32>, vector<512x512xf32> -> vector<512x512xf32>
    %add3A_153 = vector.broadcast %broadcast_in_dim3A : vector<512x1xf32> to vector<512x512xf32>
    %add3A_154 = vector.broadcast %get3A_150 : vector<1x512xf32> to vector<512x512xf32>
    %add3A_155 = arith.addf %add3A_153, %add3A_154 : vector<512x512xf32>
    %sub3A_156 = arith.subf %add3A_155, %dot_general3A_152 : vector<512x512xf32>
    %swap3A_157 = arith.constant 0 : index
    %swap3A_158 = arith.constant 4096 : index
    %swap3A_159 = vector.load %arg6[%swap3A_157, %swap3A_158] : memref<512x8192xf32, #tpu.memory_space<vmem>>, vector<512x512xf32>
    tpu.vector_store %arg6[%swap3A_157, %swap3A_158], %sub3A_156 {strides = array<i32>} : memref<512x8192xf32, #tpu.memory_space<vmem>>, vector<512x512xf32>,
    %reduce_min3A_160 = arith.constant dense<0x7F800000> : vector<512xf32>
    %reduce_min3A_161 = vector.multi_reduction <minimumf>, %sub3A_156, %reduce_min3A_160 [1] : vector<512x512xf32> to vector<512xf32>
    %broadcast_in_dim3A_162 = vector.shape_cast %reduce_min3A_161 : vector<512xf32> to vector<512x1xf32>
    %get3A_163 = arith.constant 4608 : index
    %get3A_164 = arith.constant 0 : index
    %get3A_165 = vector.load %arg2[%get3A_163, %get3A_164] : memref<8192x64xf32, #tpu.memory_space<vmem>>, vector<512x64xf32>
    %get3A_166 = arith.constant 0 : index
    %get3A_167 = arith.constant 4608 : index
    %get3A_168 = vector.load %arg5[%get3A_166, %get3A_167] : memref<1x8192xf32, #tpu.memory_space<vmem>>, vector<1x512xf32>
    %dot_general3A_169 = arith.constant dense<0.000000e+00> : vector<512x512xf32>
    %dot_general3A_170 = tpu.matmul %add3A, %get3A_165, %dot_general3A_169 {dimension_numbers = #tpu.dot_dimension_numbers<[1], [1], [0], [0], [0, 0, 1, 0], [], []>, transpose_lhs_hint = false} : vector<512x64xf32>, vector<512x64xf32>, vector<512x512xf32> -> vector<512x512xf32>
    %add3A_171 = vector.broadcast %broadcast_in_dim3A : vector<512x1xf32> to vector<512x512xf32>
    %add3A_172 = vector.broadcast %get3A_168 : vector<1x512xf32> to vector<512x512xf32>
    %add3A_173 = arith.addf %add3A_171, %add3A_172 : vector<512x512xf32>
    %sub3A_174 = arith.subf %add3A_173, %dot_general3A_170 : vector<512x512xf32>
    %swap3A_175 = arith.constant 0 : index
    %swap3A_176 = arith.constant 4608 : index
    %swap3A_177 = vector.load %arg6[%swap3A_175, %swap3A_176] : memref<512x8192xf32, #tpu.memory_space<vmem>>, vector<512x512xf32>
    tpu.vector_store %arg6[%swap3A_175, %swap3A_176], %sub3A_174 {strides = array<i32>} : memref<512x8192xf32, #tpu.memory_space<vmem>>, vector<512x512xf32>,
    %reduce_min3A_178 = arith.constant dense<0x7F800000> : vector<512xf32>
    %reduce_min3A_179 = vector.multi_reduction <minimumf>, %sub3A_174, %reduce_min3A_178 [1] : vector<512x512xf32> to vector<512xf32>
    %broadcast_in_dim3A_180 = vector.shape_cast %reduce_min3A_179 : vector<512xf32> to vector<512x1xf32>
    %get3A_181 = arith.constant 5120 : index
    %get3A_182 = arith.constant 0 : index
    %get3A_183 = vector.load %arg2[%get3A_181, %get3A_182] : memref<8192x64xf32, #tpu.memory_space<vmem>>, vector<512x64xf32>
    %get3A_184 = arith.constant 0 : index
    %get3A_185 = arith.constant 5120 : index
    %get3A_186 = vector.load %arg5[%get3A_184, %get3A_185] : memref<1x8192xf32, #tpu.memory_space<vmem>>, vector<1x512xf32>
    %dot_general3A_187 = arith.constant dense<0.000000e+00> : vector<512x512xf32>
    %dot_general3A_188 = tpu.matmul %add3A, %get3A_183, %dot_general3A_187 {dimension_numbers = #tpu.dot_dimension_numbers<[1], [1], [0], [0], [0, 0, 1, 0], [], []>, transpose_lhs_hint = false} : vector<512x64xf32>, vector<512x64xf32>, vector<512x512xf32> -> vector<512x512xf32>
    %add3A_189 = vector.broadcast %broadcast_in_dim3A : vector<512x1xf32> to vector<512x512xf32>
    %add3A_190 = vector.broadcast %get3A_186 : vector<1x512xf32> to vector<512x512xf32>
    %add3A_191 = arith.addf %add3A_189, %add3A_190 : vector<512x512xf32>
    %sub3A_192 = arith.subf %add3A_191, %dot_general3A_188 : vector<512x512xf32>
    %swap3A_193 = arith.constant 0 : index
    %swap3A_194 = arith.constant 5120 : index
    %swap3A_195 = vector.load %arg6[%swap3A_193, %swap3A_194] : memref<512x8192xf32, #tpu.memory_space<vmem>>, vector<512x512xf32>
    tpu.vector_store %arg6[%swap3A_193, %swap3A_194], %sub3A_192 {strides = array<i32>} : memref<512x8192xf32, #tpu.memory_space<vmem>>, vector<512x512xf32>,
    %reduce_min3A_196 = arith.constant dense<0x7F800000> : vector<512xf32>
    %reduce_min3A_197 = vector.multi_reduction <minimumf>, %sub3A_192, %reduce_min3A_196 [1] : vector<512x512xf32> to vector<512xf32>
    %broadcast_in_dim3A_198 = vector.shape_cast %reduce_min3A_197 : vector<512xf32> to vector<512x1xf32>
    %get3A_199 = arith.constant 5632 : index
    %get3A_200 = arith.constant 0 : index
    %get3A_201 = vector.load %arg2[%get3A_199, %get3A_200] : memref<8192x64xf32, #tpu.memory_space<vmem>>, vector<512x64xf32>
    %get3A_202 = arith.constant 0 : index
    %get3A_203 = arith.constant 5632 : index
    %get3A_204 = vector.load %arg5[%get3A_202, %get3A_203] : memref<1x8192xf32, #tpu.memory_space<vmem>>, vector<1x512xf32>
    %dot_general3A_205 = arith.constant dense<0.000000e+00> : vector<512x512xf32>
    %dot_general3A_206 = tpu.matmul %add3A, %get3A_201, %dot_general3A_205 {dimension_numbers = #tpu.dot_dimension_numbers<[1], [1], [0], [0], [0, 0, 1, 0], [], []>, transpose_lhs_hint = false} : vector<512x64xf32>, vector<512x64xf32>, vector<512x512xf32> -> vector<512x512xf32>
    %add3A_207 = vector.broadcast %broadcast_in_dim3A : vector<512x1xf32> to vector<512x512xf32>
    %add3A_208 = vector.broadcast %get3A_204 : vector<1x512xf32> to vector<512x512xf32>
    %add3A_209 = arith.addf %add3A_207, %add3A_208 : vector<512x512xf32>
    %sub3A_210 = arith.subf %add3A_209, %dot_general3A_206 : vector<512x512xf32>
    %swap3A_211 = arith.constant 0 : index
    %swap3A_212 = arith.constant 5632 : index
    %swap3A_213 = vector.load %arg6[%swap3A_211, %swap3A_212] : memref<512x8192xf32, #tpu.memory_space<vmem>>, vector<512x512xf32>
    tpu.vector_store %arg6[%swap3A_211, %swap3A_212], %sub3A_210 {strides = array<i32>} : memref<512x8192xf32, #tpu.memory_space<vmem>>, vector<512x512xf32>,
    %reduce_min3A_214 = arith.constant dense<0x7F800000> : vector<512xf32>
    %reduce_min3A_215 = vector.multi_reduction <minimumf>, %sub3A_210, %reduce_min3A_214 [1] : vector<512x512xf32> to vector<512xf32>
    %broadcast_in_dim3A_216 = vector.shape_cast %reduce_min3A_215 : vector<512xf32> to vector<512x1xf32>
    %get3A_217 = arith.constant 6144 : index
    %get3A_218 = arith.constant 0 : index
    %get3A_219 = vector.load %arg2[%get3A_217, %get3A_218] : memref<8192x64xf32, #tpu.memory_space<vmem>>, vector<512x64xf32>
    %get3A_220 = arith.constant 0 : index
    %get3A_221 = arith.constant 6144 : index
    %get3A_222 = vector.load %arg5[%get3A_220, %get3A_221] : memref<1x8192xf32, #tpu.memory_space<vmem>>, vector<1x512xf32>
    %dot_general3A_223 = arith.constant dense<0.000000e+00> : vector<512x512xf32>
    %dot_general3A_224 = tpu.matmul %add3A, %get3A_219, %dot_general3A_223 {dimension_numbers = #tpu.dot_dimension_numbers<[1], [1], [0], [0], [0, 0, 1, 0], [], []>, transpose_lhs_hint = false} : vector<512x64xf32>, vector<512x64xf32>, vector<512x512xf32> -> vector<512x512xf32>
    %add3A_225 = vector.broadcast %broadcast_in_dim3A : vector<512x1xf32> to vector<512x512xf32>
    %add3A_226 = vector.broadcast %get3A_222 : vector<1x512xf32> to vector<512x512xf32>
    %add3A_227 = arith.addf %add3A_225, %add3A_226 : vector<512x512xf32>
    %sub3A_228 = arith.subf %add3A_227, %dot_general3A_224 : vector<512x512xf32>
    %swap3A_229 = arith.constant 0 : index
    %swap3A_230 = arith.constant 6144 : index
    %swap3A_231 = vector.load %arg6[%swap3A_229, %swap3A_230] : memref<512x8192xf32, #tpu.memory_space<vmem>>, vector<512x512xf32>
    tpu.vector_store %arg6[%swap3A_229, %swap3A_230], %sub3A_228 {strides = array<i32>} : memref<512x8192xf32, #tpu.memory_space<vmem>>, vector<512x512xf32>,
    %reduce_min3A_232 = arith.constant dense<0x7F800000> : vector<512xf32>
    %reduce_min3A_233 = vector.multi_reduction <minimumf>, %sub3A_228, %reduce_min3A_232 [1] : vector<512x512xf32> to vector<512xf32>
    %broadcast_in_dim3A_234 = vector.shape_cast %reduce_min3A_233 : vector<512xf32> to vector<512x1xf32>
    %get3A_235 = arith.constant 6656 : index
    %get3A_236 = arith.constant 0 : index
    %get3A_237 = vector.load %arg2[%get3A_235, %get3A_236] : memref<8192x64xf32, #tpu.memory_space<vmem>>, vector<512x64xf32>
    %get3A_238 = arith.constant 0 : index
    %get3A_239 = arith.constant 6656 : index
    %get3A_240 = vector.load %arg5[%get3A_238, %get3A_239] : memref<1x8192xf32, #tpu.memory_space<vmem>>, vector<1x512xf32>
    %dot_general3A_241 = arith.constant dense<0.000000e+00> : vector<512x512xf32>
    %dot_general3A_242 = tpu.matmul %add3A, %get3A_237, %dot_general3A_241 {dimension_numbers = #tpu.dot_dimension_numbers<[1], [1], [0], [0], [0, 0, 1, 0], [], []>, transpose_lhs_hint = false} : vector<512x64xf32>, vector<512x64xf32>, vector<512x512xf32> -> vector<512x512xf32>
    %add3A_243 = vector.broadcast %broadcast_in_dim3A : vector<512x1xf32> to vector<512x512xf32>
    %add3A_244 = vector.broadcast %get3A_240 : vector<1x512xf32> to vector<512x512xf32>
    %add3A_245 = arith.addf %add3A_243, %add3A_244 : vector<512x512xf32>
    %sub3A_246 = arith.subf %add3A_245, %dot_general3A_242 : vector<512x512xf32>
    %swap3A_247 = arith.constant 0 : index
    %swap3A_248 = arith.constant 6656 : index
    %swap3A_249 = vector.load %arg6[%swap3A_247, %swap3A_248] : memref<512x8192xf32, #tpu.memory_space<vmem>>, vector<512x512xf32>
    tpu.vector_store %arg6[%swap3A_247, %swap3A_248], %sub3A_246 {strides = array<i32>} : memref<512x8192xf32, #tpu.memory_space<vmem>>, vector<512x512xf32>,
    %reduce_min3A_250 = arith.constant dense<0x7F800000> : vector<512xf32>
    %reduce_min3A_251 = vector.multi_reduction <minimumf>, %sub3A_246, %reduce_min3A_250 [1] : vector<512x512xf32> to vector<512xf32>
    %broadcast_in_dim3A_252 = vector.shape_cast %reduce_min3A_251 : vector<512xf32> to vector<512x1xf32>
    %get3A_253 = arith.constant 7168 : index
    %get3A_254 = arith.constant 0 : index
    %get3A_255 = vector.load %arg2[%get3A_253, %get3A_254] : memref<8192x64xf32, #tpu.memory_space<vmem>>, vector<512x64xf32>
    %get3A_256 = arith.constant 0 : index
    %get3A_257 = arith.constant 7168 : index
    %get3A_258 = vector.load %arg5[%get3A_256, %get3A_257] : memref<1x8192xf32, #tpu.memory_space<vmem>>, vector<1x512xf32>
    %dot_general3A_259 = arith.constant dense<0.000000e+00> : vector<512x512xf32>
    %dot_general3A_260 = tpu.matmul %add3A, %get3A_255, %dot_general3A_259 {dimension_numbers = #tpu.dot_dimension_numbers<[1], [1], [0], [0], [0, 0, 1, 0], [], []>, transpose_lhs_hint = false} : vector<512x64xf32>, vector<512x64xf32>, vector<512x512xf32> -> vector<512x512xf32>
    %add3A_261 = vector.broadcast %broadcast_in_dim3A : vector<512x1xf32> to vector<512x512xf32>
    %add3A_262 = vector.broadcast %get3A_258 : vector<1x512xf32> to vector<512x512xf32>
    %add3A_263 = arith.addf %add3A_261, %add3A_262 : vector<512x512xf32>
    %sub3A_264 = arith.subf %add3A_263, %dot_general3A_260 : vector<512x512xf32>
    %swap3A_265 = arith.constant 0 : index
    %swap3A_266 = arith.constant 7168 : index
    %swap3A_267 = vector.load %arg6[%swap3A_265, %swap3A_266] : memref<512x8192xf32, #tpu.memory_space<vmem>>, vector<512x512xf32>
    tpu.vector_store %arg6[%swap3A_265, %swap3A_266], %sub3A_264 {strides = array<i32>} : memref<512x8192xf32, #tpu.memory_space<vmem>>, vector<512x512xf32>,
    %reduce_min3A_268 = arith.constant dense<0x7F800000> : vector<512xf32>
    %reduce_min3A_269 = vector.multi_reduction <minimumf>, %sub3A_264, %reduce_min3A_268 [1] : vector<512x512xf32> to vector<512xf32>
    %broadcast_in_dim3A_270 = vector.shape_cast %reduce_min3A_269 : vector<512xf32> to vector<512x1xf32>
    %get3A_271 = arith.constant 7680 : index
    %get3A_272 = arith.constant 0 : index
    %get3A_273 = vector.load %arg2[%get3A_271, %get3A_272] : memref<8192x64xf32, #tpu.memory_space<vmem>>, vector<512x64xf32>
    %get3A_274 = arith.constant 0 : index
    %get3A_275 = arith.constant 7680 : index
    %get3A_276 = vector.load %arg5[%get3A_274, %get3A_275] : memref<1x8192xf32, #tpu.memory_space<vmem>>, vector<1x512xf32>
    %dot_general3A_277 = arith.constant dense<0.000000e+00> : vector<512x512xf32>
    %dot_general3A_278 = tpu.matmul %add3A, %get3A_273, %dot_general3A_277 {dimension_numbers = #tpu.dot_dimension_numbers<[1], [1], [0], [0], [0, 0, 1, 0], [], []>, transpose_lhs_hint = false} : vector<512x64xf32>, vector<512x64xf32>, vector<512x512xf32> -> vector<512x512xf32>
    %add3A_279 = vector.broadcast %broadcast_in_dim3A : vector<512x1xf32> to vector<512x512xf32>
    %add3A_280 = vector.broadcast %get3A_276 : vector<1x512xf32> to vector<512x512xf32>
    %add3A_281 = arith.addf %add3A_279, %add3A_280 : vector<512x512xf32>
    %sub3A_282 = arith.subf %add3A_281, %dot_general3A_278 : vector<512x512xf32>
    %swap3A_283 = arith.constant 0 : index
    %swap3A_284 = arith.constant 7680 : index
    %swap3A_285 = vector.load %arg6[%swap3A_283, %swap3A_284] : memref<512x8192xf32, #tpu.memory_space<vmem>>, vector<512x512xf32>
    tpu.vector_store %arg6[%swap3A_283, %swap3A_284], %sub3A_282 {strides = array<i32>} : memref<512x8192xf32, #tpu.memory_space<vmem>>, vector<512x512xf32>,
    %reduce_min3A_286 = arith.constant dense<0x7F800000> : vector<512xf32>
    %reduce_min3A_287 = vector.multi_reduction <minimumf>, %sub3A_282, %reduce_min3A_286 [1] : vector<512x512xf32> to vector<512xf32>
    %broadcast_in_dim3A_288 = vector.shape_cast %reduce_min3A_287 : vector<512xf32> to vector<512x1xf32>
    %min3A = arith.minimumf %broadcast_in_dim3A_18, %broadcast_in_dim3A_36 : vector<512x1xf32>
    %min3A_289 = arith.minimumf %min3A, %broadcast_in_dim3A_54 : vector<512x1xf32>
    %min3A_290 = arith.minimumf %min3A_289, %broadcast_in_dim3A_72 : vector<512x1xf32>
    %min3A_291 = arith.minimumf %min3A_290, %broadcast_in_dim3A_90 : vector<512x1xf32>
    %min3A_292 = arith.minimumf %min3A_291, %broadcast_in_dim3A_108 : vector<512x1xf32>
    %min3A_293 = arith.minimumf %min3A_292, %broadcast_in_dim3A_126 : vector<512x1xf32>
    %min3A_294 = arith.minimumf %min3A_293, %broadcast_in_dim3A_144 : vector<512x1xf32>
    %min3A_295 = arith.minimumf %min3A_294, %broadcast_in_dim3A_162 : vector<512x1xf32>
    %min3A_296 = arith.minimumf %min3A_295, %broadcast_in_dim3A_180 : vector<512x1xf32>
    %min3A_297 = arith.minimumf %min3A_296, %broadcast_in_dim3A_198 : vector<512x1xf32>
    %min3A_298 = arith.minimumf %min3A_297, %broadcast_in_dim3A_216 : vector<512x1xf32>
    %min3A_299 = arith.minimumf %min3A_298, %broadcast_in_dim3A_234 : vector<512x1xf32>
    %min3A_300 = arith.minimumf %min3A_299, %broadcast_in_dim3A_252 : vector<512x1xf32>
    %min3A_301 = arith.minimumf %min3A_300, %broadcast_in_dim3A_270 : vector<512x1xf32>
    %min3A_302 = arith.minimumf %min3A_301, %broadcast_in_dim3A_288 : vector<512x1xf32>
    %get3A_303 = arith.constant 0 : index
    %get3A_304 = arith.constant 0 : index
    %get3A_305 = vector.load %arg6[%get3A_303, %get3A_304] : memref<512x8192xf32, #tpu.memory_space<vmem>>, vector<512x8192xf32>
    %eq3A_306 = vector.broadcast %min3A_302 : vector<512x1xf32> to vector<512x8192xf32>
    %eq3A_307 = arith.cmpf oeq, %get3A_305, %eq3A_306 : vector<512x8192xf32>
    %get3A_308 = arith.constant 0 : index
    %get3A_309 = arith.constant 0 : index
    %get3A_310 = vector.load %arg7[%get3A_308, %get3A_309] : memref<1x8192xf32, #tpu.memory_space<vmem>>, vector<1x8192xf32>
    %jit3A = arith.constant 4.000000e+00 : f32
    %broadcast_in_dim3A_311 = vector.shape_cast %get3A_310 : vector<1x8192xf32> to vector<1x8192xf32>
    %broadcast_in_dim3A_312 = vector.broadcast %broadcast_in_dim3A_311 : vector<1x8192xf32> to vector<512x8192xf32>
    %broadcast_in_dim3A_313 = vector.broadcast %jit3A : f32 to vector<512x8192xf32>
    %select_n3A = arith.select %eq3A_307, %broadcast_in_dim3A_312, %broadcast_in_dim3A_313 : vector<512x8192xi1>, vector<512x8192xf32>
    %reduce_min3A_314 = arith.constant dense<0x7F800000> : vector<512xf32>
    %reduce_min3A_315 = vector.multi_reduction <minimumf>, %select_n3A, %reduce_min3A_314 [1] : vector<512x8192xf32> to vector<512xf32>
    %bitcast_convert_type3A = tpu.bitcast %reduce_min3A_315 : vector<512xf32> -> vector<512xi32>
    %sub3A_316 = arith.constant 1065353216 : i32
    %sub3A_317 = vector.broadcast %sub3A_316 : i32 to vector<512xi32>
    %sub3A_318 = arith.subi %bitcast_convert_type3A, %sub3A_317 : vector<512xi32>
    %swap3A_319 = arith.constant 0 : index
    %swap3A_320 = vector.load %arg3[%swap3A_319] : memref<512xi32, #tpu.memory_space<vmem>>, vector<512xi32>
    tpu.vector_store %arg3[%swap3A_319], %sub3A_318 {strides = array<i32>} : memref<512xi32, #tpu.memory_space<vmem>>, vector<512xi32>,
    %eq3A_321 = arith.constant 8 : i32
    %eq3A_322 = arith.cmpi eq, %arg0, %eq3A_321 : i32
    %convert_element_type3A_323 = arith.extui %eq3A_322 : i1 to i32
    %cond3A_324 = arith.constant 0 : i32
    %cond3A_325 = arith.cmpi ne, %convert_element_type3A_323, %cond3A_324 : i32
    scf.if %cond3A_325 {
      %get3A_326 = arith.constant 0 : index
      %get3A_327 = arith.constant 0 : index
      %get3A_328 = vector.load %arg2[%get3A_326, %get3A_327] : memref<8192x64xf32, #tpu.memory_space<vmem>>, vector<8192x64xf32>
      %swap3A_329 = arith.constant 0 : index
      %swap3A_330 = arith.constant 0 : index
      %swap3A_331 = vector.load %arg4[%swap3A_329, %swap3A_330] : memref<8192x128xf32, #tpu.memory_space<vmem>>, vector<8192x64xf32>
      tpu.vector_store %arg4[%swap3A_329, %swap3A_330], %get3A_328 {strides = array<i32>} : memref<8192x128xf32, #tpu.memory_space<vmem>>, vector<8192x64xf32>,
      %broadcast_in_dim3A_332 = arith.constant 0.000000e+00 : f32
      %broadcast_in_dim3A_333 = vector.broadcast %broadcast_in_dim3A_332 : f32 to vector<8192x64xf32>
      %swap3A_334 = arith.constant 0 : index
      %swap3A_335 = arith.constant 64 : index
      %swap3A_336 = vector.load %arg4[%swap3A_334, %swap3A_335] : memref<8192x128xf32, #tpu.memory_space<vmem>>, vector<8192x64xf32>
      tpu.vector_store %arg4[%swap3A_334, %swap3A_335], %broadcast_in_dim3A_333 {strides = array<i32>} : memref<8192x128xf32, #tpu.memory_space<vmem>>, vector<8192x64xf32>,
    } else {
    }
    return
  }
  func.func @transform_0(%arg0: i32) -> (i32, i32) {
    %c0_i32 = arith.constant 0 : i32
    %c0_i32_0 = arith.constant 0 : i32
    return %arg0, %c0_i32 : i32, i32
  }
  func.func @transform_1(%arg0: i32) -> (i32, i32) {
    %c0_i32 = arith.constant 0 : i32
    %c0_i32_0 = arith.constant 0 : i32
    %c0_i32_1 = arith.constant 0 : i32
    return %c0_i32, %c0_i32_0 : i32, i32
  }
  func.func @transform_2(%arg0: i32) -> i32 {
    %c0_i32 = arith.constant 0 : i32
    return %arg0 : i32
  }
  func.func @transform_3(%arg0: i32) -> (i32, i32) {
    %c0_i32 = arith.constant 0 : i32
    %c0_i32_0 = arith.constant 0 : i32
    %c0_i32_1 = arith.constant 0 : i32
    return %c0_i32, %c0_i32_0 : i32, i32
  }
}

</mosaic_0001>

<sc_bundles>
// kernel: kernel.4.cloned.1.call-start
scs
__scs_entry_jumppad:
0x0: {  	(pc) =	sbr.rel $0x88, $3  }
0x1: {  	(tag) =	ssettag $0x0;
	lr =	simm.s32 $0x1  }
0x2: {  	[smem:$0x3F9F] =	sst lr;
	_ =	strace $0xD0000000  }
0x3: {  	_ = 	snop  }
0x4: {  	_ = 	snop  }
0x5: {  	_ = 	snop  }
0x6: {  	_ = 	snop  }
0x7: {  	_ = 	snop  }
__scs_overlays_trampoline_lowered:
0x8: {  	[smem:$0x3FAE] =	sst s0  }
0x9: {  	[smem:$0x3FAF] =	sst s1  }
0xa: {  	[smem:$0x3FB0] =	sst s2  }
0xb: {  	[smem:$0x3FB1] =	sst s3  }
0xc: {  	[smem:$0x3FB2] =	sst s4  }
0xd: {  	[smem:$0x3FB3] =	sst s5  }
0xe: {  	[smem:$0x3FB4] =	sst s6  }
0xf: {  	[smem:$0x3FB5] =	sst s7  }
0x10: {  	[smem:$0x3FB6] =	sst s8  }
0x11: {  	[smem:$0x3FB7] =	sst s9;
	s0 =	simm.s32 @!p0 $0x0  }
0x12: {  	s1 =	sld [smem:$0x3F9D];
	s0 =	simm.s32 @p0 $0x1  }
0x13: {  	[smem:$0x3FB8] =	sst s0;
	s0 =	simm.s32 @!p1 $0x0  }
0x14: {  	s2 =	sld [smem:$0x3F9C];
	s0 =	simm.s32 @p1 $0x1  }
0x15: {  	[smem:$0x3FB9] =	sst s0;
	s0 =	simm.s32 @!p2 $0x0  }
0x16: {  	s3 =	sld [smem:$0x3FDB];
	s0 =	simm.s32 @p2 $0x1  }
0x17: {  	s4 =	simm.s32 $0x1BF5;
	[smem:$0x3FBB] =	sst s0  }
0x18: {  	s0 =	sld [smem:$0x3F9E];
	_ =	swait.ge [sflag:s4], $0x0  }
0x19: {  	s7 =	sld [smem:$0x3F9F]  }
0x1a: {  	s8 =	sadd.s32 $0xFFFFE003, lr  }
0x1b: {  	s9 =	sadd.s32 $0xFFFFFEF7, lr;
	s5 =	simm.s32 $0xFFFFFFFF;
	p2 =	slt.u32 s8, $0xFFFFF086  }
0x1c: {  	p1 =	slt.u32 s9, $0xF7A;
	s5 =	simm.s32 @!p2 $0x0  }
0x1d: {  	s5 =	simm.s32 @p1 $0x1;
	p0 =	seq.s32 s7, s2  }
0x1e: {  	s7 =	smul.u32 @!p0 $0xF7A, s2;
	p2 =	seq.s32 @!p0 s5, $0x0  }
0x1f: {  	s9 =	smul.u32 $0xF7A, s1;
	s8 =	simm.s32 @!p0 $0x1BF5;
	p2 =	por !p2, p0  }
0x20: {  	[sflag:s8] =	ssyncset.s32 @!p0 $0xFFFFF086;
	s6 =	sadd.s32 @!p0 s3, s7;
	s7 =	simm.s32 @!p0 $0x108  }
0x21: {  	s3 =	sadd.s32 s3, s9;
	s6 =	sadd.s32 @!p0 $0x88, s6;
	s7 =	simm.s32 @p2 $0x1082  }
0x22: {  	[simem:s7], [sflag:s8] =	dma.local @!p0 [hbm:s6], $0xF7A  }
0x23: {  	s9 =	sor.u32 $0xD0000000, s2;
	s6 =	simm.s32 $0x108;
	_ =	swait.ge @!p0 [sflag:s8], $0x0  }
0x24: {  	s3 =	sadd.s32 $0x88, s3;
	s6 =	simm.s32 @!p1 $0x1082;
	[sflag:s4] =	ssyncset.s32 $0xFFFFF086  }
0x25: {  	[simem:s6], [sflag:s4] =	dma.local [hbm:s3], $0xF7A  }
0x26: {  	[smem:$0x3F9F] =	sst s1;
	(tag) =	ssettag s2;
	_ =	strace s9  }
0x27: {  	s1 =	sld [smem:$0x3FAF]  }
0x28: {  	s2 =	sld [smem:$0x3FB0]  }
0x29: {  	s4 =	sld [smem:$0x3FB2]  }
0x2a: {  	p0 =	seq.s32 s5, $0x0;
	s5 =	sld [smem:$0x3FB3]  }
0x2b: {  	s6 =	sld [smem:$0x3FB4]  }
0x2c: {  	s7 =	sld [smem:$0x3FB5]  }
0x2d: {  	s3 =	simm.s32 $0x108;
	s8 =	sld [smem:$0x3FB6]  }
0x2e: {  	s3 =	simm.s32 @!p0 $0x1082;
	s9 =	sld [smem:$0x3FB7]  }
0x2f: {  	lr =	sadd.s32 s0, s3;
	s0 =	sld [smem:$0x3FAE]  }
0x30: {  	s3 =	sld [smem:$0x3FB1]  }
0x31: {  	[smem:$0x3FBA] =	sst s10  }
0x32: {  	s10 =	sld [smem:$0x3FB8];
	_ =	sdelay $0x3  }
0x33: {  	p0 =	seq.s32 s10, $0x1;
	s10 =	sld [smem:$0x3FBA];
	_ =	sdelay $0x3  }
0x34: {  	[smem:$0x3FBA] =	sst s10  }
0x35: {  	s10 =	sld [smem:$0x3FB9];
	_ =	sdelay $0x3  }
0x36: {  	p1 =	seq.s32 s10, $0x1;
	s10 =	sld [smem:$0x3FBA];
	_ =	sdelay $0x3  }
0x37: {  	[smem:$0x3FBA] =	sst s10  }
0x38: {  	s10 =	sld [smem:$0x3FBB]  }
0x39: {  	_ = 	snop;
	(pc) =	sbr.ind lr, $3  }
0x3a: {  	_ = 	snop  }
0x3b: {  	_ = 	snop  }
0x3c: {  	p2 =	seq.s32 s10, $0x1;
	s10 =	sld [smem:$0x3FBA]  }
0x3d: {  	_ =	shalt  }
0x3e: {  	_ =	shalt  }
0x3f: {  	_ =	shalt  }
0x40: {  	_ =	shalt  }
0x41: {  	_ =	shalt  }
0x42: {  	_ =	shalt  }
0x43: {  	_ =	shalt  }
0x44: {  	_ =	shalt  }
0x45: {  	_ =	shalt  }
0x46: {  	_ =	shalt  }
0x47: {  	_ =	shalt  }
0x48: {  	_ =	shalt  }
0x49: {  	_ =	shalt  }
0x4a: {  	_ =	shalt  }
0x4b: {  	_ =	shalt  }
0x4c: {  	_ =	shalt  }
0x4d: {  	_ =	shalt  }
0x4e: {  	_ =	shalt  }
0x4f: {  	_ =	shalt  }
0x50: {  	_ =	shalt  }
0x51: {  	_ =	shalt  }
0x52: {  	_ =	shalt  }
0x53: {  	_ =	shalt  }
0x54: {  	_ =	shalt  }
0x55: {  	_ =	shalt  }
0x56: {  	_ =	shalt  }
0x57: {  	_ =	shalt  }
0x58: {  	_ =	shalt  }
0x59: {  	_ =	shalt  }
0x5a: {  	_ =	shalt  }
0x5b: {  	_ =	shalt  }
0x5c: {  	_ =	shalt  }
0x5d: {  	_ =	shalt  }
0x5e: {  	_ =	shalt  }
0x5f: {  	_ =	shalt  }
0x60: {  	_ =	shalt  }
0x61: {  	_ =	shalt  }
0x62: {  	_ =	shalt  }
0x63: {  	_ =	shalt  }
0x64: {  	_ =	shalt  }
0x65: {  	_ =	shalt  }
0x66: {  	_ =	shalt  }
0x67: {  	_ =	shalt  }
0x68: {  	_ =	shalt  }
0x69: {  	_ =	shalt  }
0x6a: {  	_ =	shalt  }
0x6b: {  	_ =	shalt  }
0x6c: {  	_ =	shalt  }
0x6d: {  	_ =	shalt  }
0x6e: {  	_ =	shalt  }
0x6f: {  	_ =	shalt  }
0x70: {  	_ =	shalt  }
0x71: {  	_ =	shalt  }
0x72: {  	_ =	shalt  }
0x73: {  	_ =	shalt  }
0x74: {  	_ =	shalt  }
0x75: {  	_ =	shalt  }
0x76: {  	_ =	shalt  }
0x77: {  	_ =	shalt  }
0x78: {  	_ =	shalt  }
0x79: {  	_ =	shalt  }
0x7a: {  	_ =	shalt  }
0x7b: {  	_ =	shalt  }
0x7c: {  	_ =	shalt  }
0x7d: {  	_ =	shalt  }
0x7e: {  	_ =	shalt  }
0x7f: {  	_ =	shalt  }
0x80: {  	_ =	shalt  }
0x81: {  	_ =	shalt  }
0x82: {  	_ =	shalt  }
0x83: {  	_ =	shalt  }
0x84: {  	_ =	shalt  }
0x85: {  	_ =	shalt  }
0x86: {  	_ =	shalt  }
0x87: {  	_ =	shalt  }
.Lfunc_end0:
.L_simem_size_0:
called_computation_lowered:
.L_overlay_start_0:
0x88: {  	s2 =	sld [smem:$0x3FD9]  }
0x89: {  	s3 =	sld [smem:$0x3FFE];
	_ =	sdelay $0x1  }
0x8a: {  	s1 =	srdreg.scid  }
0x8b: {  	s0 =	sand.u32 $0x1, s1  }
0x8c: {  	s14 =	sshll.u32 s0, $0xA;
	s2 =	sadd.s32 s3, s2  }
0x8d: {  	s2 =	sadd.s32 s2, s14  }
0x8e: {  	[smem:$0x3FC6] =	sst s2  }
0x8f: {  	_ = 	snop  }
0x90: {  	s2 =	sld [smem:$0x3FD0];
	_ =	sdelay $0x2  }
0x91: {  	s15 =	simm.s32 $0xA;
	s4 =	simm.s32 $0x10  }
0x92: {  	[smem:s4], [sflag:s15] =	dma.local [hbm:s2], $0x1  }
0x93: {  	_ =	swait.eq [sflag:s15], $0x1  }
0x94: {  	[sflag:s15] =	ssyncset.done $0x0  }
0x95: {  	s16 =	sld [smem:$0x10];
	[sflag:s15] =	ssyncadd.s32 $0xFFFFFFFF  }
0x96: {  	s17 =	sld [smem:$0x12];
	(tm) =	ssettm $0x1  }
0x97: {  	s18 =	sld [smem:$0x3FFB];
	_ =	sdelay $0x3  }
0x98: {  	_ =	strace s18  }
0x99: {  	s4 =	sld [smem:$0x3FFC];
	_ =	sdelay $0x3  }
0x9a: {  	_ =	strace s4  }
0x9b: {  	s4 =	sld [smem:$0x3FFD];
	_ =	sdelay $0x3  }
0x9c: {  	_ =	strace s4  }
0x9d: {  	_ =	strace $0x8FFFFFFF  }
0x9e: {  	s19 =	sld [smem:$0x3FDB];
	_ =	sdelay $0x1  }
0x9f: {  	s5 =	simm.s32 $_scs_section_size  }
0xa0: {  	s6 =	simm.s32 $_size__tile_overlayer_lowered;
	s7 =	simm.s32 $_tile_overlayer_lowered  }
0xa1: {  	s22 =	simm.s32 $0x1BFF;
	s21 =	sshll.u32 s7, $0x1;
	s4 =	sadd.s32 s5, s19  }
0xa2: {  	s8 =	simm.s32 $0x0;
	s20 =	sshll.u32 s6, $0x1;
	s6 =	sadd.s32 s21, s4  }
0xa3: {  	[timem:s8], [sflag:s22] =	dma.local [hbm:s6], s20  }
0xa4: {  	_ =	swait.ge [sflag:s22], s20  }
0xa5: {  	s5 =	ssub.s32 $0x0, s20;
	[sflag:s22] =	ssyncset.done $0x0  }
0xa6: {  	[sflag:s22] =	ssyncadd.s32 s5;
	_ =	sdelay $0x1  }
0xa7: {  	s23 =	simm.s32 $0x1B8B  }
0xa8: {  	_ =	swait.ge [sflag:s23], $0x1  }
0xa9: {  	[sflag:s23] =	ssyncset.done $0x0  }
0xaa: {  	s25 =	simm.s32 $0x1B8E;
	s24 =	sld [smem:$0x3FFE];
	[sflag:s23] =	ssyncadd.s32 $0xFFFFFFFF  }
0xab: {  	s26 =	simm.s32 $execute0_lowered;
	[smem:$0x3FD2] =	sst s25  }
0xac: {  	s6 =	sshll.u32 s26, $0x1;
	_ =	strace $0x80000046;
	[dreg:$0x1] =	wrdreg $0xFFFFFFFF  }
0xad: {  	s28 =	simm.s32 $_size_execute0_lowered;
	s4 =	sadd.s32 s4, s6;
	[dreg:$0x0] =	wrdreg $0x0  }
0xae: {  	s6 =	sshll.u32 s28, $0x1;
	[dreg:$0x2] =	wrdreg s4  }
0xaf: {  	[dreg:$0x3] =	wrdreg s6  }
0xb0: {  	[dreg:$0x4] =	wrdreg $0xC0  }
0xb1: {  	_ =	task [dreg:s8], $0x5FFFF  }
0xb2: {  	[dreg:$0x1] =	wrdreg $0xFFFFFFFF  }
0xb3: {  	[dreg:$0x0] =	wrdreg $0x60  }
0xb4: {  	[dreg:$0x2] =	wrdreg s24  }
0xb5: {  	[dreg:$0x3] =	wrdreg s17  }
0xb6: {  	[dreg:$0x4] =	wrdreg s16  }
0xb7: {  	[dreg:$0x5] =	wrdreg $0x9  }
0xb8: {  	_ =	task.clear_ibuf [dreg:s8], $0x6FFFF;
	_ =	strace $0x90000046  }
0xb9: {  	s29 =	simm.s32 $0x9;
	_ =	strace $0x80000048  }
0xba: {  	_ =	swait.ge [sflag:s29], $0x1  }
0xbb: {  	[sflag:s29] =	ssyncadd.s32 $0xFFFFFFFF  }
0xbc: {  	_ =	strace $0x90000048  }
0xbd: {  	_ =	sfence  }
0xbe: {  	s30 =	sld [smem:$0x0];
	_ =	sdelay $0x2  }
0xbf: {  	s31 =	sshll.u32 s1, $0xD;
	s1 =	sshrl.u32 s1, $0x2  }
0xc0: {  	s3 =	sand.u32 $0x4000, s31;
	s1 =	sadd.s32 s1, s30  }
0xc1: {  	s0 =	sor.u32 s3, s0;
	s1 =	sshll.u32 s1, $0x11  }
0xc2: {  	s0 =	sor.u32 s1, s0  }
0xc3: {  	s0 =	sadd.s32 $0x8F2B, s0  }
0xc4: {  	[sflag:s0] =	ssyncadd.remote.s32 $0x1  }
0xc5: {  	_ =	sfence.sel $0xFFFF  }
0xc6: {  	[dreg:$0x0] =	wrdreg $0xFFFFFFFF;
	(pc) =	sbr.abs _section_cstart, $3  }
0xc7: {  	[dreg:$0x1] =	wrdreg $0xFFFFFFFF  }
0xc8: {  	_ =	task.clear_ibuf [dreg:s8], $0x2FFFF;
	_ =	strace $0x9FFFFFFF  }
0xc9: {  	(tm) =	ssettm $0x7FFFFFFF  }
tec
execute0_lowered:
.L_overlay_start_1:
0x0: {  	(tag) =	ssettag $0x1  }
0x1: {  	s4 =	rddreg [dreg:$0x0]  }
0x2: {  	s1 =	srdreg.scid;
	s5 =	rddreg [dreg:$0x1]  }
0x3: {  	s0 =	stileid.u32;
	s8 =	rddreg [dreg:$0x2];
	s2 =	simm.s32 $0x0  }
0x4: {  	s12 =	simm.s32 $0x48;
	s13 =	simm.s32 $0x100;
	s14 =	simm.s32 $0x2500  }
0x5: {  	s15 =	simm.s32 $0x4900;
	s16 =	simm.s32 $0x1;
	s17 =	simm.s32 $0x9100  }
0x6: {  	s18 =	simm.s32 $0xD900;
	s6 =	sand.u32 $0x1, s1;
	s29 =	sshll.u32 s0, $0x1  }
0x7: {  	s19 =	simm.s32 $0x0;
	s1 =	rddreg [dreg:$0x3];
	s9 =	sor.u32 s6, s29  }
0x8: {  	[smem:$0x7FF] =	sst s2;
	s30 =	ssub.s32 $0x2, s6;
	s7 =	smul.u32 $0x900, s9  }
0x9: {  	s3 =	sadd.s32 $0x13200, s4;
	s10 =	smul.u32 $0x90, s9;
	s11 =	sshrl.u32 s30, $0x1  }
0xa: {  	_ =	strace $0x80000047;
	s9 =	sshll.u32 s9, $0x1;
	s11 =	ssub.s32 s30, s11  }
0xb: {  	s8 =	sadd.s32 s8, s9;
	s7 =	sadd.s32 s7, s4;
	s31 =	sadd.s32 $0x48, s10  }
0xc: {  	s10 =	sshrl.u32 s10, $0x3;
	s9 =	smax.u32 s11, $0x1;
	s11 =	simm.s32 $0x80  }
0xd: {  	s6 =	sshrl.u32 s31, $0x3;
	s4 =	sadd.s32 s5, s10;
	s10 =	simm.s32 $0x2  }
0xe: {  	s5 =	sadd.s32 s5, s6;
	s6 =	sadd.s32 $0x1200, s7;
	s7 =	sadd.s32 $0x33200, s7  }
.LBB2_1:
0xf: {  	[tilespmem:s2], [sflag:$0x2] =	stream.linear.gather [hbm4b:s4+s2], $0x48, $0x38;
	[tilespmem:$0xD980] =	vst v63  }
0x10: {  	_ =	swait.ge [sflag:s10], $0x48  }
0x11: {  	[sflag:s10] =	ssyncset.done $0x0  }
0x12: {  	[sflag:s10] =	ssyncadd.s32 $0xFFFFFFB8  }
0x13: {  	[tilespmem:s11], [sflag:$0x2] =	stream.linear.gather [hbm4b:s5+s2], $0x48, $0x38;
	[tilespmem:$0xD980] =	vst v63  }
0x14: {  	_ =	swait.ge [sflag:s10], $0x48  }
0x15: {  	[sflag:s10] =	ssyncset.done $0x0  }
0x16: {  	[sflag:s10] =	ssyncadd.s32 $0xFFFFFFB8  }
0x17: {  	[tilespmem:s13], [sflag:$0x1] =	stream.indirect.gather [hbm4b:s3+s12], $0x80, s2, s12, $0xb8;
	[tilespmem:$0xD980] =	vst v63  }
0x18: {  	_ = 	snop  }
0x19: {  	[tilespmem:s14], [sflag:$0x1] =	stream.indirect.gather [hbm4b:s3+s12], $0x80, s11, s12, $0xb8;
	[tilespmem:$0xD980] =	vst v63  }
0x1a: {  	_ = 	snop  }
0x1b: {  	[tilespmem:s15], [sflag:$0x2] =	stream.linear.gather [hbm4b:s6+s2], $0x4800, $0x38;
	[tilespmem:$0xD980] =	vst v63  }
0x1c: {  	_ =	swait.ge [sflag:s10], $0x4800  }
0x1d: {  	[sflag:s10] =	ssyncset.done $0x0  }
0x1e: {  	[sflag:s10] =	ssyncadd.s32 $0xFFFFB800  }
0x1f: {  	_ =	swait.ge [sflag:s16], $0x2400  }
0x20: {  	[sflag:s16] =	ssyncset.done $0x0  }
0x21: {  	[sflag:s16] =	ssyncadd.s32 $0xFFFFDC00  }
0x22: {  	_ =	swait.ge [sflag:s16], $0x2400  }
0x23: {  	[sflag:s16] =	ssyncset.done $0x0  }
0x24: {  	s20 =	simm.s32 $0x0;
	[sflag:s16] =	ssyncadd.s32 $0xFFFFDC00  }
0x25: {  	v2 =	vld [tilespmem:s20+$0x100]  }
0x26: {  	v4 =	vld [tilespmem:s20+$0x4900]  }
0x27: {  	v7 =	vld [tilespmem:s20+$0x110]  }
0x28: {  	v8 =	vld [tilespmem:s20+$0x4910]  }
0x29: {  	v1 =	vld [tilespmem:s20+$0x120]  }
0x2a: {  	v3 =	vld [tilespmem:s20+$0x4920]  }
0x2b: {  	v0 =	vld [tilespmem:s20+$0x130];
	[tilespmem:s20+$0x9100] =	vst v2;
	v6 =	vsub.f32 v2, v4  }
0x2c: {  	s21 =	simm.s32 $0x80;
	[tilespmem:s20+$0x9110] =	vst v7;
	v4 =	vld [tilespmem:s20+$0x4930]  }
0x2d: {  	v5 =	vimm.f32 $0.0e+00;
	s22 =	simm.s32 $0x400;
	v7 =	vsub.f32 v7, v8;
	v2 =	vld [tilespmem:s21+$0x100];
	v6 =	vmul.f32 v6, v6  }
.LBB2_2:
0x2e: {  	p0 =	sne.s32 s22, $0x8E00;
	v8 =	vld [tilespmem:s21+$0x4900];
	[tilespmem:s20+$0x9120] =	vst v1  }
0x2f: {  	v9 =	vld [tilespmem:s21+$0x110];
	v5 =	vadd.f32 v6, v5;
	v6 =	vmul.f32 v7, v7;
	v3 =	vsub.f32 v1, v3  }
0x30: {  	v7 =	vld [tilespmem:s21+$0x4910];
	[tilespmem:s20+$0x9130] =	vst v0;
	s20 =	smov.u32 s21  }
.Ltmp0:
0x31: {  	v1 =	vld [tilespmem:s20+$0x120];
	v5 =	vadd.f32 v6, v5;
	v6 =	vmul.f32 v3, v3;
	v4 =	vsub.f32 v0, v4;
	(pc) =	sbr.rel @p0 .LBB2_2-.Ltmp0, $4  }
0x32: {  	[tilespmem:s20+$0x9100] =	vst v2;
	v3 =	vld [tilespmem:s20+$0x4920]  }
0x33: {  	v8 =	vsub.f32 v2, v8;
	v0 =	vld [tilespmem:s20+$0x130];
	v5 =	vadd.f32 v6, v5;
	v10 =	vmul.f32 v4, v4  }
0x34: {  	s21 =	sshra.s32 s22, $0x2;
	[tilespmem:s20+$0x9110] =	vst v9;
	v4 =	vld [tilespmem:s20+$0x4930]  }
0x35: {  	s22 =	sadd.s32 $0x200, s22;
	v2 =	vld [tilespmem:s21+$0x100];
	v6 =	vmul.f32 v8, v8;
	v7 =	vsub.f32 v9, v7;
	v5 =	vadd.f32 v10, v5  }
0x36: {  	v8 =	vld [tilespmem:s21+$0x4900];
	[tilespmem:s20+$0x9120] =	vst v1  }
0x37: {  	v9 =	vld [tilespmem:s21+$0x110]  }
0x38: {  	v10 =	vld [tilespmem:s21+$0x4910];
	[tilespmem:s20+$0x9130] =	vst v0  }
0x39: {  	v11 =	vld [tilespmem:s21+$0x120]  }
0x3a: {  	v5 =	vadd.f32 v6, v5;
	v6 =	vmul.f32 v7, v7;
	v1 =	vsub.f32 v1, v3;
	v12 =	vld [tilespmem:s21+$0x130];
	_ =	sdelay $0x1  }
0x3b: {  	v5 =	vadd.f32 v6, v5;
	v0 =	vsub.f32 v0, v4;
	v1 =	vmul.f32 v1, v1;
	[tilespmem:s21+$0x9100] =	vst v2  }
0x3c: {  	v13 =	vld [tilespmem:s21+$0x4920];
	[tilespmem:s21+$0x9110] =	vst v9  }
0x3d: {  	v2 =	vsub.f32 v2, v8;
	v1 =	vadd.f32 v1, v5;
	v0 =	vmul.f32 v0, v0;
	[tilespmem:s21+$0x9120] =	vst v11  }
0x3e: {  	s20 =	simm.s32 $0x0;
	v3 =	vld [tilespmem:s21+$0x4930];
	[tilespmem:s21+$0x9130] =	vst v12  }
0x3f: {  	v6 =	vsub.f32 v9, v10;
	v2 =	vmul.f32 v2, v2;
	v0 =	vadd.f32 v0, v1;
	v4 =	vld [tilespmem:s20+$0x2500]  }
0x40: {  	v5 =	vld [tilespmem:s20+$0x6D00]  }
0x41: {  	v7 =	vld [tilespmem:s20+$0x2510];
	v1 =	vadd.f32 v2, v0;
	v2 =	vmul.f32 v6, v6;
	v6 =	vsub.f32 v11, v13  }
0x42: {  	v8 =	vld [tilespmem:s20+$0x6D10]  }
0x43: {  	v62 =	vsub.f32 v12, v3;
	v0 =	vld [tilespmem:s20+$0x2520];
	v2 =	vadd.f32 v2, v1;
	v6 =	vmul.f32 v6, v6  }
0x44: {  	v3 =	vld [tilespmem:s20+$0x6D20]  }
0x45: {  	v1 =	vld [tilespmem:s20+$0x2530];
	v2 =	vadd.f32 v6, v2;
	v6 =	vmul.f32 v62, v62;
	[tilespmem:s20+$0xB500] =	vst v4;
	v63 =	vsub.f32 v4, v5  }
0x46: {  	s21 =	simm.s32 $0x80;
	[tilespmem:s20+$0xB510] =	vst v7;
	v4 =	vld [tilespmem:s20+$0x6D30]  }
0x47: {  	s22 =	simm.s32 $0x400;
	v7 =	vsub.f32 v7, v8;
	v5 =	vadd.f32 v6, v2;
	v2 =	vld [tilespmem:s21+$0x2500];
	v6 =	vmul.f32 v63, v63  }
.LBB2_4:
0x48: {  	p0 =	sne.s32 s22, $0x8E00;
	v8 =	vld [tilespmem:s21+$0x6D00];
	[tilespmem:s20+$0xB520] =	vst v0  }
0x49: {  	v9 =	vld [tilespmem:s21+$0x2510];
	v5 =	vadd.f32 v6, v5;
	v6 =	vmul.f32 v7, v7;
	v3 =	vsub.f32 v0, v3  }
0x4a: {  	v7 =	vld [tilespmem:s21+$0x6D10];
	[tilespmem:s20+$0xB530] =	vst v1;
	s20 =	smov.u32 s21  }
.Ltmp1:
0x4b: {  	v0 =	vld [tilespmem:s20+$0x2520];
	v5 =	vadd.f32 v6, v5;
	v6 =	vmul.f32 v3, v3;
	v4 =	vsub.f32 v1, v4;
	(pc) =	sbr.rel @p0 .LBB2_4-.Ltmp1, $4  }
0x4c: {  	[tilespmem:s20+$0xB500] =	vst v2;
	v3 =	vld [tilespmem:s20+$0x6D20]  }
0x4d: {  	v8 =	vsub.f32 v2, v8;
	v1 =	vld [tilespmem:s20+$0x2530];
	v5 =	vadd.f32 v6, v5;
	v10 =	vmul.f32 v4, v4  }
0x4e: {  	s21 =	sshra.s32 s22, $0x2;
	[tilespmem:s20+$0xB510] =	vst v9;
	v4 =	vld [tilespmem:s20+$0x6D30]  }
0x4f: {  	s22 =	sadd.s32 $0x200, s22;
	v2 =	vld [tilespmem:s21+$0x2500];
	v6 =	vmul.f32 v8, v8;
	v7 =	vsub.f32 v9, v7;
	v5 =	vadd.f32 v10, v5  }
0x50: {  	v8 =	vld [tilespmem:s21+$0x6D00];
	[tilespmem:s20+$0xB520] =	vst v0  }
0x51: {  	v9 =	vld [tilespmem:s21+$0x2510];
	v5 =	vadd.f32 v6, v5;
	v50 =	vmul.f32 v7, v7;
	v51 =	vsub.f32 v0, v3  }
0x52: {  	v10 =	vld [tilespmem:s21+$0x6D10];
	[tilespmem:s20+$0xB530] =	vst v1  }
0x53: {  	v52 =	vld [tilespmem:s21+$0x2520];
	v5 =	vadd.f32 v50, v5;
	v0 =	vmul.f32 v51, v51;
	v53 =	vsub.f32 v1, v4  }
0x54: {  	v54 =	vld [tilespmem:s21+$0x6D20]  }
0x55: {  	v55 =	vld [tilespmem:s21+$0x2530];
	v56 =	vsub.f32 v2, v8;
	v0 =	vadd.f32 v0, v5;
	v1 =	vmul.f32 v53, v53  }
0x56: {  	v57 =	vld [tilespmem:s21+$0x6D30]  }
0x57: {  	[tilespmem:s21+$0xB500] =	vst v2;
	v58 =	vsub.f32 v9, v10;
	v2 =	vmul.f32 v56, v56;
	v0 =	vadd.f32 v1, v0;
	_ =	sdelay $0x1  }
0x58: {  	v59 =	vmul.f32 v58, v58;
	v60 =	vsub.f32 v52, v54;
	v0 =	vadd.f32 v2, v0;
	_ =	sdelay $0x1  }
0x59: {  	v62 =	vsub.f32 v55, v57;
	v61 =	vmul.f32 v60, v60;
	v0 =	vadd.f32 v59, v0;
	_ =	sdelay $0x1  }
0x5a: {  	v63 =	vmul.f32 v62, v62;
	v0 =	vadd.f32 v61, v0  }
0x5b: {  	[tilespmem:s21+$0xB510] =	vst v9  }
0x5c: {  	[tilespmem:s21+$0xB520] =	vst v52;
	v0 =	vadd.f32 v63, v0  }
0x5d: {  	[tilespmem:s21+$0xB530] =	vst v55  }
0x5e: {  	[tilespmem:$0xD900] =	vst v0  }
0x5f: {  	[hbm4b:s7+s2] =	stream.linear.scatter [tilespmem:s17], [sflag:$0x2], $0x4800, $0x38;
	[tilespmem:$0xD980] =	vst v63  }
0x60: {  	s19 =	sadd.s32 $0x1, s19;
	_ =	swait.ge [sflag:s10], $0x4800  }
0x61: {  	p0 =	sne.s32 s19, s9;
	[sflag:s10] =	ssyncset.done $0x0  }
.Ltmp2:
0x62: {  	[sflag:s10] =	ssyncadd.s32 $0xFFFFB800;
	(pc) =	sbr.rel @p0 .LBB2_1-.Ltmp2, $4  }
0x63: {  	[hbm4b:s8+s2] =	stream.linear.scatter [tilespmem:s18], [sflag:$0x2], $0x10, $0x38;
	[tilespmem:$0xD980] =	vst v63  }
0x64: {  	_ =	swait.ge [sflag:s10], $0x10  }
0x65: {  	[sflag:s10] =	ssyncset.done $0x0  }
0x66: {  	[sflag:s10] =	ssyncadd.s32 $0xFFFFFFF0  }
0x67: {  	_ =	sfence.sel $0x180000  }
0x68: {  	[bflag:$0x0] =	sbarrier.arrive $0xFFFF  }
0x69: {  	p0 =	sne.s32 s0, $0x0;
	_ =	strace $0x90000047  }
0x6a: {  	s0 =	sadd.s32 @!p0 $0x100000, s1;
	[bflag:$0x2] =	sbarrier.arrive $0xFFFF  }
0x6b: {  	[sflag:s0] =	ssyncadd.tile.s32 @!p0 $0x1;
	_ =	shalt  }
.Lfunc_end2:
_tile_overlayer_lowered:
.L_overlay_start_2:
0x6c: {  	(tag) =	ssettag $0x2  }
0x6d: {  	s0 =	rddreg [dreg:$0x0];
	s2 =	stileid.u32  }
0x6e: {  	s1 =	rddreg [dreg:$0x1];
	p0 =	sne.s32 s2, $0x0  }
0x6f: {  	s3 =	rddreg [dreg:$0x2];
	[bflag:$0x3] =	sbarrier.arrive $0xFFFF;
	s2 =	simm.s32 @!p0 $0x1C02  }
0x70: {  	[timem:s3], [sflag:s2] =	dma.local @!p0 [hbm:s0], s1  }
0x71: {  	s0 =	simm.s32 @!p0 $0x2  }
0x72: {  	_ =	swait.ge @!p0 [sflag:s0], s1  }
0x73: {  	s1 =	ssub.s32 @!p0 $0x0, s1;
	[sflag:s0] =	ssyncset.done @!p0 $0x0  }
0x74: {  	[sflag:s0] =	ssyncadd.s32 @!p0 s1  }
0x75: {  	[bflag:$0x3] =	sbarrier.arrive $0xFFFF  }
0x76: {  	_ =	shalt  }

</sc_bundles>
